<compile_context>
chip_gen: v7x
topology: tpu7x:2x2x1
jax: 0.10.2.dev20260603
libtpu: 0.0.44.dev20260713+nightly
codegen_flags: <defaults>
</compile_context>

<pallas_src>
import jax
import jax.numpy as jnp
from jax import lax
from jax.experimental import pallas as pl
from jax.experimental.pallas import tpu as pltpu
from jax.experimental.pallas import tpu_sc as plsc

_HIDDEN = 64
_L = 16
_NC = 2
_NS = 16
_NW = _NC * _NS
_CH = 128
_NBUF = 4


def _emb_body(idx_hbm, tab_hbm, out_hbm, idx_all, rows_v, gsem, osem):
    nchunk_rows, ch = idx_hbm.shape
    nchunk = nchunk_rows // _NW
    wid = lax.axis_index("s") * _NC + lax.axis_index("c")
    wrow = wid * nchunk

    pltpu.sync_copy(idx_hbm.at[pl.ds(wrow, nchunk)], idx_all)

    def gather_desc(t, b):
        return pltpu.make_async_copy(
            tab_hbm.at[idx_all.at[t]], rows_v.at[b], gsem.at[b])

    def out_desc(t, b):
        return pltpu.make_async_copy(
            rows_v.at[b], out_hbm.at[pl.ds((wrow + t) * ch, ch)], osem.at[b])

    gather_desc(0, 0).start()

    def chunk_body(t, carry):
        b = lax.rem(t, _NBUF)
        nb = lax.rem(t + 1, _NBUF)

        @pl.when(t + 1 < nchunk)
        def _():
            @pl.when(t + 1 >= _NBUF)
            def _():
                out_desc(t + 1 - _NBUF, nb).wait()
            gather_desc(t + 1, nb).start()

        gather_desc(t, b).wait()

        def grp_body(g, c):
            idxg = idx_all[t, pl.ds(g * _L, _L)]
            m16 = jnp.where(idxg != 0, jnp.float32(8.0), jnp.float32(0.0))
            for r in range(_L):
                row = g * _L + r
                mr = m16.at[jnp.full((_L,), r, jnp.int32)].get(
                    mode="promise_in_bounds")
                for k in range(_HIDDEN // _L):
                    sl = pl.ds(k * _L, _L)
                    rows_v[b, row, sl] = rows_v[b, row, sl] * mr
            return c

        lax.fori_loop(0, ch // _L, grp_body, 0)
        out_desc(t, b).start()
        return carry

    lax.fori_loop(0, nchunk, chunk_body, 0)

    def drain_body(k, carry):
        t = nchunk - 1 - k
        out_desc(t, lax.rem(t, _NBUF)).wait()
        return carry

    lax.fori_loop(0, min(_NBUF, nchunk), drain_body, 0)


@jax.jit
def kernel(inputs, weights):
    b, s = inputs.shape
    n = b * s
    idx = inputs.reshape(n // _CH, _CH).astype(jnp.int32)
    mesh = plsc.VectorSubcoreMesh(core_axis_name="c", subcore_axis_name="s")
    out = pl.kernel(
        _emb_body,
        out_type=jax.ShapeDtypeStruct((n, _HIDDEN), jnp.float32),
        mesh=mesh,
        scratch_types=[
            pltpu.VMEM((n // (_NW * _CH), _CH), jnp.int32),
            pltpu.VMEM((_NBUF, _CH, _HIDDEN), jnp.float32),
            pltpu.SemaphoreType.DMA((_NBUF,)),
            pltpu.SemaphoreType.DMA((_NBUF,)),
        ],
        compiler_params=pltpu.CompilerParams(use_tc_tiling_on_sc=False),
    )(idx, weights)
    return out.reshape(b, s, _HIDDEN)

# --- scband reference (transcript-rebuilt; emitter-appended) ---
"""Pipeline reference for scband-embedding-layer-558345749123 (READ-ONLY COPY).

The authoritative reference and input builder live on the scoring server;
editing this copy changes nothing except your own understanding.
"""

import jax, jax.numpy as jnp
import numpy as np

VOCAB = 1000000
HIDDEN = 64
BATCH = 1024
SEQ = 200

def setup_inputs(seed: int = 0) -> dict:
    key = jax.random.key(seed)
    k_idx, k_w = jax.random.split(key)
    inputs = jax.random.randint(k_idx, (BATCH, SEQ), 0, VOCAB, dtype=jnp.int64 if jax.config.jax_enable_x64 else jnp.int32)
    weights = jax.random.normal(k_w, (VOCAB, HIDDEN), dtype=jnp.float32) * (HIDDEN ** -0.5)
    return {"inputs": inputs, "weights": weights}

def reference(inputs, weights):
    # SOS token (index 0) has a fixed zero embedding vector
    table = jnp.pad(weights[1:], ((1, 0), (0, 0)))
    emb = jnp.take(table, inputs, axis=0)
    emb = emb * (HIDDEN ** 0.5)
    return emb.astype(jnp.float32)

if __name__ == "__main__":
    import jax
    _d = setup_inputs()
    print(jax.jit(kernel)(*tuple(_d.values())))

</pallas_src>

<mosaic_0001>
#map = affine_map<(d0, d1) -> (0, 0)>
module attributes {stable_mosaic.version = 14 : i64} {
  func.func @_emb_body(%arg0: i32, %arg1: i32, %arg2: memref<1600x128xi32, #tpu.memory_space<hbm>>, %arg3: memref<1000000x64xf32, #tpu.memory_space<hbm>>, %arg4: memref<204800x64xf32, #tpu.memory_space<hbm>>, %arg5: memref<50x128xi32, #tpu.memory_space<vmem>>, %arg6: memref<4x128x64xf32, #tpu.memory_space<vmem>>, %arg7: memref<4x!tpu.dma_semaphore, #tpu.memory_space<semaphore_mem>>, %arg8: memref<4x!tpu.dma_semaphore, #tpu.memory_space<semaphore_mem>>) attributes {dimension_semantics = [#tpu.dimension_semantics<core_parallel>, #tpu.dimension_semantics<subcore_parallel>], iteration_bounds = array<i64: 2, 16>, scalar_prefetch = 0 : i64, scratch_operands = 4 : i64, tpu.core_type = #tpu.core_type<sc_vector_subcore>, window_params = [{transform_indices = #map}, {transform_indices = #map}, {transform_indices = #map}]} {
    %mul3A = arith.constant 2 : i32
    %mul3A_0 = arith.muli %arg1, %mul3A : i32
    %add3A = arith.addi %mul3A_0, %arg0 : i32
    %mul3A_1 = arith.constant 50 : i32
    %mul3A_2 = arith.muli %add3A, %mul3A_1 : i32
    "tpu.region"() ({
      %run_scoped3A = tpu.sem_alloc : memref<!tpu.dma_semaphore, #tpu.memory_space<semaphore_mem>>
      %dma_start3A_28 = arith.constant 0 : i32
      %dma_start3A_29 = tpu.memref_slice %arg2[%mul3A_2, %dma_start3A_28] : memref<1600x128xi32, #tpu.memory_space<hbm>> -> memref<50x128xi32, #tpu.memory_space<hbm>>
      %dma_start3A_30 = arith.constant 0 : i32
      %dma_start3A_31 = tpu.memref_slice %arg2[%mul3A_2, %dma_start3A_30] : memref<1600x128xi32, #tpu.memory_space<hbm>> -> memref<50x128xi32, #tpu.memory_space<hbm>>
      tpu.enqueue_dma source(%dma_start3A_31 : memref<50x128xi32, #tpu.memory_space<hbm>>) target(%arg5 : memref<50x128xi32, #tpu.memory_space<vmem>>) target_semaphore(%run_scoped3A : memref<!tpu.dma_semaphore, #tpu.memory_space<semaphore_mem>>)
      %dma_wait3A = arith.constant 0 : i32
      %dma_wait3A_32 = tpu.memref_slice %arg2[%mul3A_2, %dma_wait3A] : memref<1600x128xi32, #tpu.memory_space<hbm>> -> memref<50x128xi32, #tpu.memory_space<hbm>>
      %dma_wait3A_33 = arith.constant 0 : i32
      %dma_wait3A_34 = tpu.memref_slice %arg2[%mul3A_2, %dma_wait3A_33] : memref<1600x128xi32, #tpu.memory_space<hbm>> -> memref<50x128xi32, #tpu.memory_space<hbm>>
      tpu.wait_dma2 semaphore(%run_scoped3A : memref<!tpu.dma_semaphore, #tpu.memory_space<semaphore_mem>>) src(%dma_wait3A_34 : memref<50x128xi32, #tpu.memory_space<hbm>>) dst(%arg5 : memref<50x128xi32, #tpu.memory_space<vmem>>)
      tpu.yield
    }) : () -> ()
    %dma_start3A = arith.constant 0 : i32
    %dma_start3A_3 = arith.constant 0 : i32
    %dma_start3A_4 = arith.constant 0 : i32
    %dma_start3A_5 = arith.constant 0 : i32
    %dma_start3A_6 = arith.constant 0 : i32
    %dma_start3A_7 = tpu.memref_slice %arg6[%dma_start3A_3, %dma_start3A_5, %dma_start3A_6] : memref<4x128x64xf32, #tpu.memory_space<vmem>> -> memref<1x128x64xf32, #tpu.memory_space<vmem>>
    %dma_start3A_8 = tpu.memref_squeeze %dma_start3A_7 : memref<1x128x64xf32, #tpu.memory_space<vmem>> -> memref<128x64xf32, #tpu.memory_space<vmem>>
    %dma_start3A_9 = arith.constant 0 : i32
    %dma_start3A_10 = tpu.memref_slice %arg5[%dma_start3A, %dma_start3A_9] : memref<50x128xi32, #tpu.memory_space<vmem>> -> memref<1x128xi32, #tpu.memory_space<vmem>>
    %dma_start3A_11 = tpu.memref_squeeze %dma_start3A_10 : memref<1x128xi32, #tpu.memory_space<vmem>> -> memref<128xi32, #tpu.memory_space<vmem>>
    %dma_start3A_12 = arith.constant 0 : i32
    %dma_start3A_13 = arith.constant 0 : i32
    %dma_start3A_14 = tpu.memref_slice %arg3[%dma_start3A_12, %dma_start3A_13] : memref<1000000x64xf32, #tpu.memory_space<hbm>> -> memref<1000000x64xf32, #tpu.memory_space<hbm>>
    %dma_start3A_15 = tpu.memref_slice %arg7[%dma_start3A_4] : memref<4x!tpu.dma_semaphore, #tpu.memory_space<semaphore_mem>> -> memref<1x!tpu.dma_semaphore, #tpu.memory_space<semaphore_mem>>
    %dma_start3A_16 = tpu.memref_squeeze %dma_start3A_15 : memref<1x!tpu.dma_semaphore, #tpu.memory_space<semaphore_mem>> -> memref<!tpu.dma_semaphore, #tpu.memory_space<semaphore_mem>>
    tpu.enqueue_indirect_dma source(%dma_start3A_14 : memref<1000000x64xf32, #tpu.memory_space<hbm>>) target(%dma_start3A_8 : memref<128x64xf32, #tpu.memory_space<vmem>>) offsets(%dma_start3A_11 : memref<128xi32, #tpu.memory_space<vmem>>) semaphore(%dma_start3A_16 : memref<!tpu.dma_semaphore, #tpu.memory_space<semaphore_mem>>)
    %scan3A = arith.constant 0 : i32
    %scan3A_17 = arith.constant 0 : i32
    %scan3A_18 = arith.constant 50 : i32
    %scan3A_19 = arith.addi %scan3A_17, %scan3A_18 : i32
    %scan3A_20 = arith.constant 1 : i32
    scf.for %scan3A_28 = %scan3A_17 to %scan3A_19 step %scan3A_20  : i32 {
      %rem3A = arith.constant 4 : i32
      %rem3A_29 = arith.remsi %scan3A_28, %rem3A : i32
      %add3A_30 = arith.constant 1 : i32
      %add3A_31 = arith.addi %scan3A_28, %add3A_30 : i32
      %rem3A_32 = arith.constant 4 : i32
      %rem3A_33 = arith.remsi %add3A_31, %rem3A_32 : i32
      %add3A_34 = arith.constant 1 : i32
      %add3A_35 = arith.addi %scan3A_28, %add3A_34 : i32
      %lt3A = arith.constant 50 : i32
      %lt3A_36 = arith.cmpi slt, %add3A_35, %lt3A : i32
      %convert_element_type3A = arith.extui %lt3A_36 : i1 to i32
      %cond3A = arith.constant 0 : i32
      %cond3A_37 = arith.cmpi ne, %convert_element_type3A, %cond3A : i32
      scf.if %cond3A_37 {
        %add3A_72 = arith.constant 1 : i32
        %add3A_73 = arith.addi %scan3A_28, %add3A_72 : i32
        %ge3A = arith.constant 4 : i32
        %ge3A_74 = arith.cmpi sge, %add3A_73, %ge3A : i32
        %convert_element_type3A_75 = arith.extui %ge3A_74 : i1 to i32
        %cond3A_76 = arith.constant 0 : i32
        %cond3A_77 = arith.cmpi ne, %convert_element_type3A_75, %cond3A_76 : i32
        scf.if %cond3A_77 {
          %add3A_92 = arith.constant 1 : i32
          %add3A_93 = arith.addi %scan3A_28, %add3A_92 : i32
          %sub3A = arith.constant 4 : i32
          %sub3A_94 = arith.subi %add3A_93, %sub3A : i32
          %add3A_95 = arith.addi %mul3A_2, %sub3A_94 : i32
          %mul3A_96 = arith.constant 128 : i32
          %mul3A_97 = arith.muli %add3A_95, %mul3A_96 : i32
          %dma_wait3A_98 = arith.constant 0 : i32
          %dma_wait3A_99 = arith.constant 0 : i32
          %dma_wait3A_100 = tpu.memref_slice %arg6[%rem3A_33, %dma_wait3A_98, %dma_wait3A_99] : memref<4x128x64xf32, #tpu.memory_space<vmem>> -> memref<1x128x64xf32, #tpu.memory_space<vmem>>
          %dma_wait3A_101 = tpu.memref_squeeze %dma_wait3A_100 : memref<1x128x64xf32, #tpu.memory_space<vmem>> -> memref<128x64xf32, #tpu.memory_space<vmem>>
          %dma_wait3A_102 = arith.constant 0 : i32
          %dma_wait3A_103 = tpu.memref_slice %arg4[%mul3A_97, %dma_wait3A_102] : memref<204800x64xf32, #tpu.memory_space<hbm>> -> memref<128x64xf32, #tpu.memory_space<hbm>>
          %dma_wait3A_104 = tpu.memref_slice %arg8[%rem3A_33] : memref<4x!tpu.dma_semaphore, #tpu.memory_space<semaphore_mem>> -> memref<1x!tpu.dma_semaphore, #tpu.memory_space<semaphore_mem>>
          %dma_wait3A_105 = tpu.memref_squeeze %dma_wait3A_104 : memref<1x!tpu.dma_semaphore, #tpu.memory_space<semaphore_mem>> -> memref<!tpu.dma_semaphore, #tpu.memory_space<semaphore_mem>>
          %dma_wait3A_106 = arith.constant 0 : i32
          %dma_wait3A_107 = tpu.memref_slice %arg4[%mul3A_97, %dma_wait3A_106] : memref<204800x64xf32, #tpu.memory_space<hbm>> -> memref<128x64xf32, #tpu.memory_space<hbm>>
          %dma_wait3A_108 = arith.constant 0 : i32
          %dma_wait3A_109 = arith.constant 0 : i32
          %dma_wait3A_110 = tpu.memref_slice %arg6[%rem3A_33, %dma_wait3A_108, %dma_wait3A_109] : memref<4x128x64xf32, #tpu.memory_space<vmem>> -> memref<1x128x64xf32, #tpu.memory_space<vmem>>
          %dma_wait3A_111 = tpu.memref_squeeze %dma_wait3A_110 : memref<1x128x64xf32, #tpu.memory_space<vmem>> -> memref<128x64xf32, #tpu.memory_space<vmem>>
          tpu.wait_dma2 semaphore(%dma_wait3A_105 : memref<!tpu.dma_semaphore, #tpu.memory_space<semaphore_mem>>) src(%dma_wait3A_111 : memref<128x64xf32, #tpu.memory_space<vmem>>) dst(%dma_wait3A_107 : memref<128x64xf32, #tpu.memory_space<hbm>>)
        } else {
        }
        %add3A_78 = arith.constant 1 : i32
        %add3A_79 = arith.addi %scan3A_28, %add3A_78 : i32
        %dma_start3A_80 = arith.constant 0 : i32
        %dma_start3A_81 = arith.constant 0 : i32
        %dma_start3A_82 = tpu.memref_slice %arg6[%rem3A_33, %dma_start3A_80, %dma_start3A_81] : memref<4x128x64xf32, #tpu.memory_space<vmem>> -> memref<1x128x64xf32, #tpu.memory_space<vmem>>
        %dma_start3A_83 = tpu.memref_squeeze %dma_start3A_82 : memref<1x128x64xf32, #tpu.memory_space<vmem>> -> memref<128x64xf32, #tpu.memory_space<vmem>>
        %dma_start3A_84 = arith.constant 0 : i32
        %dma_start3A_85 = tpu.memref_slice %arg5[%add3A_79, %dma_start3A_84] : memref<50x128xi32, #tpu.memory_space<vmem>> -> memref<1x128xi32, #tpu.memory_space<vmem>>
        %dma_start3A_86 = tpu.memref_squeeze %dma_start3A_85 : memref<1x128xi32, #tpu.memory_space<vmem>> -> memref<128xi32, #tpu.memory_space<vmem>>
        %dma_start3A_87 = arith.constant 0 : i32
        %dma_start3A_88 = arith.constant 0 : i32
        %dma_start3A_89 = tpu.memref_slice %arg3[%dma_start3A_87, %dma_start3A_88] : memref<1000000x64xf32, #tpu.memory_space<hbm>> -> memref<1000000x64xf32, #tpu.memory_space<hbm>>
        %dma_start3A_90 = tpu.memref_slice %arg7[%rem3A_33] : memref<4x!tpu.dma_semaphore, #tpu.memory_space<semaphore_mem>> -> memref<1x!tpu.dma_semaphore, #tpu.memory_space<semaphore_mem>>
        %dma_start3A_91 = tpu.memref_squeeze %dma_start3A_90 : memref<1x!tpu.dma_semaphore, #tpu.memory_space<semaphore_mem>> -> memref<!tpu.dma_semaphore, #tpu.memory_space<semaphore_mem>>
        tpu.enqueue_indirect_dma source(%dma_start3A_89 : memref<1000000x64xf32, #tpu.memory_space<hbm>>) target(%dma_start3A_83 : memref<128x64xf32, #tpu.memory_space<vmem>>) offsets(%dma_start3A_86 : memref<128xi32, #tpu.memory_space<vmem>>) semaphore(%dma_start3A_91 : memref<!tpu.dma_semaphore, #tpu.memory_space<semaphore_mem>>)
      } else {
      }
      %dma_wait3A = arith.constant 0 : i32
      %dma_wait3A_38 = arith.constant 0 : i32
      %dma_wait3A_39 = tpu.memref_slice %arg6[%rem3A_29, %dma_wait3A, %dma_wait3A_38] : memref<4x128x64xf32, #tpu.memory_space<vmem>> -> memref<1x128x64xf32, #tpu.memory_space<vmem>>
      %dma_wait3A_40 = tpu.memref_squeeze %dma_wait3A_39 : memref<1x128x64xf32, #tpu.memory_space<vmem>> -> memref<128x64xf32, #tpu.memory_space<vmem>>
      %dma_wait3A_41 = arith.constant 0 : i32
      %dma_wait3A_42 = tpu.memref_slice %arg5[%scan3A_28, %dma_wait3A_41] : memref<50x128xi32, #tpu.memory_space<vmem>> -> memref<1x128xi32, #tpu.memory_space<vmem>>
      %dma_wait3A_43 = tpu.memref_squeeze %dma_wait3A_42 : memref<1x128xi32, #tpu.memory_space<vmem>> -> memref<128xi32, #tpu.memory_space<vmem>>
      %dma_wait3A_44 = arith.constant 0 : i32
      %dma_wait3A_45 = arith.constant 0 : i32
      %dma_wait3A_46 = tpu.memref_slice %arg3[%dma_wait3A_44, %dma_wait3A_45] : memref<1000000x64xf32, #tpu.memory_space<hbm>> -> memref<1000000x64xf32, #tpu.memory_space<hbm>>
      %dma_wait3A_47 = tpu.memref_slice %arg7[%rem3A_29] : memref<4x!tpu.dma_semaphore, #tpu.memory_space<semaphore_mem>> -> memref<1x!tpu.dma_semaphore, #tpu.memory_space<semaphore_mem>>
      %dma_wait3A_48 = tpu.memref_squeeze %dma_wait3A_47 : memref<1x!tpu.dma_semaphore, #tpu.memory_space<semaphore_mem>> -> memref<!tpu.dma_semaphore, #tpu.memory_space<semaphore_mem>>
      tpu.wait_indirect_dma semaphore(%dma_wait3A_48 : memref<!tpu.dma_semaphore, #tpu.memory_space<semaphore_mem>>) src(%dma_wait3A_46 : memref<1000000x64xf32, #tpu.memory_space<hbm>>) dst(%dma_wait3A_40 : memref<128x64xf32, #tpu.memory_space<vmem>>)
      %scan3A_49 = arith.constant 0 : i32
      %scan3A_50 = arith.constant 0 : i32
      %scan3A_51 = arith.constant 8 : i32
      %scan3A_52 = arith.addi %scan3A_50, %scan3A_51 : i32
      %scan3A_53 = arith.constant 1 : i32
      scf.for %scan3A_72 = %scan3A_50 to %scan3A_52 step %scan3A_53  : i32 {
        %mul3A_73 = arith.constant 16 : i32
        %mul3A_74 = arith.muli %scan3A_72, %mul3A_73 : i32
        %get3A = arith.index_cast %scan3A_28 : i32 to index
        %get3A_75 = arith.index_cast %mul3A_74 : i32 to index
        %get3A_76 = tpu.vector_load %arg5[%get3A, %get3A_75] {strides = array<i32>} : memref<50x128xi32, #tpu.memory_space<vmem>>, vector<1x16xi32>,
        %get3A_77 = vector.shape_cast %get3A_76 : vector<1x16xi32> to vector<16xi32>
        %ne3A = arith.constant 0 : i32
        %ne3A_78 = vector.broadcast %ne3A : i32 to vector<16xi32>
        %ne3A_79 = arith.cmpi ne, %get3A_77, %ne3A_78 : vector<16xi32>
        %jit3A = arith.constant 8.000000e+00 : f32
        %jit3A_80 = arith.constant 0.000000e+00 : f32
        %broadcast_in_dim3A = vector.broadcast %jit3A : f32 to vector<16xf32>
        %broadcast_in_dim3A_81 = vector.broadcast %jit3A_80 : f32 to vector<16xf32>
        %select_n3A = arith.select %ne3A_79, %broadcast_in_dim3A, %broadcast_in_dim3A_81 : vector<16xi1>, vector<16xf32>
        %mul3A_82 = arith.constant 16 : i32
        %mul3A_83 = arith.muli %scan3A_72, %mul3A_82 : i32
        %add3A_84 = arith.constant 0 : i32
        %add3A_85 = arith.addi %mul3A_83, %add3A_84 : i32
        %broadcast_in_dim3A_86 = arith.constant 0 : i32
        %broadcast_in_dim3A_87 = vector.broadcast %broadcast_in_dim3A_86 : i32 to vector<16xi32>
        %lt3A_88 = arith.constant 0 : i32
        %lt3A_89 = vector.broadcast %lt3A_88 : i32 to vector<16xi32>
        %lt3A_90 = arith.cmpi slt, %broadcast_in_dim3A_87, %lt3A_89 : vector<16xi32>
        %add3A_91 = arith.constant 16 : i32
        %add3A_92 = vector.broadcast %add3A_91 : i32 to vector<16xi32>
        %add3A_93 = arith.addi %broadcast_in_dim3A_87, %add3A_92 : vector<16xi32>
        %select_n3A_94 = arith.select %lt3A_90, %add3A_93, %broadcast_in_dim3A_87 : vector<16xi1>, vector<16xi32>
        %broadcast_in_dim3A_95 = vector.shape_cast %select_n3A_94 : vector<16xi32> to vector<16x1xi32>
        %gather3A = vector.shape_cast %broadcast_in_dim3A_95 : vector<16x1xi32> to vector<16xi32>
        %gather3A_96 = tpu.dynamic_gather %select_n3A[%gather3A] in [0] : vector<16xf32>, vector<16xi32> -> vector<16xf32>
        %get3A_97 = arith.index_cast %rem3A_29 : i32 to index
        %get3A_98 = arith.index_cast %add3A_85 : i32 to index
        %get3A_99 = arith.constant 0 : index
        %get3A_100 = tpu.vector_load %arg6[%get3A_97, %get3A_98, %get3A_99] {strides = array<i32>} : memref<4x128x64xf32, #tpu.memory_space<vmem>>, vector<1x1x16xf32>,
        %get3A_101 = vector.shape_cast %get3A_100 : vector<1x1x16xf32> to vector<16xf32>
        %mul3A_102 = arith.mulf %get3A_101, %gather3A_96 : vector<16xf32>
        %swap3A = arith.index_cast %rem3A_29 : i32 to index
        %swap3A_103 = arith.index_cast %add3A_85 : i32 to index
        %swap3A_104 = arith.constant 0 : index
        %swap3A_105 = tpu.vector_load %arg6[%swap3A, %swap3A_103, %swap3A_104] {strides = array<i32>} : memref<4x128x64xf32, #tpu.memory_space<vmem>>, vector<1x1x16xf32>,
        %swap3A_106 = vector.shape_cast %swap3A_105 : vector<1x1x16xf32> to vector<16xf32>
        %swap3A_107 = vector.shape_cast %mul3A_102 : vector<16xf32> to vector<1x1x16xf32>
        tpu.vector_store %arg6[%swap3A, %swap3A_103, %swap3A_104], %swap3A_107 {strides = array<i32>} : memref<4x128x64xf32, #tpu.memory_space<vmem>>, vector<1x1x16xf32>,
        %get3A_108 = arith.index_cast %rem3A_29 : i32 to index
        %get3A_109 = arith.index_cast %add3A_85 : i32 to index
        %get3A_110 = arith.constant 16 : index
        %get3A_111 = tpu.vector_load %arg6[%get3A_108, %get3A_109, %get3A_110] {strides = array<i32>} : memref<4x128x64xf32, #tpu.memory_space<vmem>>, vector<1x1x16xf32>,
        %get3A_112 = vector.shape_cast %get3A_111 : vector<1x1x16xf32> to vector<16xf32>
        %mul3A_113 = arith.mulf %get3A_112, %gather3A_96 : vector<16xf32>
        %swap3A_114 = arith.index_cast %rem3A_29 : i32 to index
        %swap3A_115 = arith.index_cast %add3A_85 : i32 to index
        %swap3A_116 = arith.constant 16 : index
        %swap3A_117 = tpu.vector_load %arg6[%swap3A_114, %swap3A_115, %swap3A_116] {strides = array<i32>} : memref<4x128x64xf32, #tpu.memory_space<vmem>>, vector<1x1x16xf32>,
        %swap3A_118 = vector.shape_cast %swap3A_117 : vector<1x1x16xf32> to vector<16xf32>
        %swap3A_119 = vector.shape_cast %mul3A_113 : vector<16xf32> to vector<1x1x16xf32>
        tpu.vector_store %arg6[%swap3A_114, %swap3A_115, %swap3A_116], %swap3A_119 {strides = array<i32>} : memref<4x128x64xf32, #tpu.memory_space<vmem>>, vector<1x1x16xf32>,
        %get3A_120 = arith.index_cast %rem3A_29 : i32 to index
        %get3A_121 = arith.index_cast %add3A_85 : i32 to index
        %get3A_122 = arith.constant 32 : index
        %get3A_123 = tpu.vector_load %arg6[%get3A_120, %get3A_121, %get3A_122] {strides = array<i32>} : memref<4x128x64xf32, #tpu.memory_space<vmem>>, vector<1x1x16xf32>,
        %get3A_124 = vector.shape_cast %get3A_123 : vector<1x1x16xf32> to vector<16xf32>
        %mul3A_125 = arith.mulf %get3A_124, %gather3A_96 : vector<16xf32>
        %swap3A_126 = arith.index_cast %rem3A_29 : i32 to index
        %swap3A_127 = arith.index_cast %add3A_85 : i32 to index
        %swap3A_128 = arith.constant 32 : index
        %swap3A_129 = tpu.vector_load %arg6[%swap3A_126, %swap3A_127, %swap3A_128] {strides = array<i32>} : memref<4x128x64xf32, #tpu.memory_space<vmem>>, vector<1x1x16xf32>,
        %swap3A_130 = vector.shape_cast %swap3A_129 : vector<1x1x16xf32> to vector<16xf32>
        %swap3A_131 = vector.shape_cast %mul3A_125 : vector<16xf32> to vector<1x1x16xf32>
        tpu.vector_store %arg6[%swap3A_126, %swap3A_127, %swap3A_128], %swap3A_131 {strides = array<i32>} : memref<4x128x64xf32, #tpu.memory_space<vmem>>, vector<1x1x16xf32>,
        %get3A_132 = arith.index_cast %rem3A_29 : i32 to index
        %get3A_133 = arith.index_cast %add3A_85 : i32 to index
        %get3A_134 = arith.constant 48 : index
        %get3A_135 = tpu.vector_load %arg6[%get3A_132, %get3A_133, %get3A_134] {strides = array<i32>} : memref<4x128x64xf32, #tpu.memory_space<vmem>>, vector<1x1x16xf32>,
        %get3A_136 = vector.shape_cast %get3A_135 : vector<1x1x16xf32> to vector<16xf32>
        %mul3A_137 = arith.mulf %get3A_136, %gather3A_96 : vector<16xf32>
        %swap3A_138 = arith.index_cast %rem3A_29 : i32 to index
        %swap3A_139 = arith.index_cast %add3A_85 : i32 to index
        %swap3A_140 = arith.constant 48 : index
        %swap3A_141 = tpu.vector_load %arg6[%swap3A_138, %swap3A_139, %swap3A_140] {strides = array<i32>} : memref<4x128x64xf32, #tpu.memory_space<vmem>>, vector<1x1x16xf32>,
        %swap3A_142 = vector.shape_cast %swap3A_141 : vector<1x1x16xf32> to vector<16xf32>
        %swap3A_143 = vector.shape_cast %mul3A_137 : vector<16xf32> to vector<1x1x16xf32>
        tpu.vector_store %arg6[%swap3A_138, %swap3A_139, %swap3A_140], %swap3A_143 {strides = array<i32>} : memref<4x128x64xf32, #tpu.memory_space<vmem>>, vector<1x1x16xf32>,
        %mul3A_144 = arith.constant 16 : i32
        %mul3A_145 = arith.muli %scan3A_72, %mul3A_144 : i32
        %add3A_146 = arith.constant 1 : i32
        %add3A_147 = arith.addi %mul3A_145, %add3A_146 : i32
        %broadcast_in_dim3A_148 = arith.constant 1 : i32
        %broadcast_in_dim3A_149 = vector.broadcast %broadcast_in_dim3A_148 : i32 to vector<16xi32>
        %lt3A_150 = arith.constant 0 : i32
        %lt3A_151 = vector.broadcast %lt3A_150 : i32 to vector<16xi32>
        %lt3A_152 = arith.cmpi slt, %broadcast_in_dim3A_149, %lt3A_151 : vector<16xi32>
        %add3A_153 = arith.constant 16 : i32
        %add3A_154 = vector.broadcast %add3A_153 : i32 to vector<16xi32>
        %add3A_155 = arith.addi %broadcast_in_dim3A_149, %add3A_154 : vector<16xi32>
        %select_n3A_156 = arith.select %lt3A_152, %add3A_155, %broadcast_in_dim3A_149 : vector<16xi1>, vector<16xi32>
        %broadcast_in_dim3A_157 = vector.shape_cast %select_n3A_156 : vector<16xi32> to vector<16x1xi32>
        %gather3A_158 = vector.shape_cast %broadcast_in_dim3A_157 : vector<16x1xi32> to vector<16xi32>
        %gather3A_159 = tpu.dynamic_gather %select_n3A[%gather3A_158] in [0] : vector<16xf32>, vector<16xi32> -> vector<16xf32>
        %get3A_160 = arith.index_cast %rem3A_29 : i32 to index
        %get3A_161 = arith.index_cast %add3A_147 : i32 to index
        %get3A_162 = arith.constant 0 : index
        %get3A_163 = tpu.vector_load %arg6[%get3A_160, %get3A_161, %get3A_162] {strides = array<i32>} : memref<4x128x64xf32, #tpu.memory_space<vmem>>, vector<1x1x16xf32>,
        %get3A_164 = vector.shape_cast %get3A_163 : vector<1x1x16xf32> to vector<16xf32>
        %mul3A_165 = arith.mulf %get3A_164, %gather3A_159 : vector<16xf32>
        %swap3A_166 = arith.index_cast %rem3A_29 : i32 to index
        %swap3A_167 = arith.index_cast %add3A_147 : i32 to index
        %swap3A_168 = arith.constant 0 : index
        %swap3A_169 = tpu.vector_load %arg6[%swap3A_166, %swap3A_167, %swap3A_168] {strides = array<i32>} : memref<4x128x64xf32, #tpu.memory_space<vmem>>, vector<1x1x16xf32>,
        %swap3A_170 = vector.shape_cast %swap3A_169 : vector<1x1x16xf32> to vector<16xf32>
        %swap3A_171 = vector.shape_cast %mul3A_165 : vector<16xf32> to vector<1x1x16xf32>
        tpu.vector_store %arg6[%swap3A_166, %swap3A_167, %swap3A_168], %swap3A_171 {strides = array<i32>} : memref<4x128x64xf32, #tpu.memory_space<vmem>>, vector<1x1x16xf32>,
        %get3A_172 = arith.index_cast %rem3A_29 : i32 to index
        %get3A_173 = arith.index_cast %add3A_147 : i32 to index
        %get3A_174 = arith.constant 16 : index
        %get3A_175 = tpu.vector_load %arg6[%get3A_172, %get3A_173, %get3A_174] {strides = array<i32>} : memref<4x128x64xf32, #tpu.memory_space<vmem>>, vector<1x1x16xf32>,
        %get3A_176 = vector.shape_cast %get3A_175 : vector<1x1x16xf32> to vector<16xf32>
        %mul3A_177 = arith.mulf %get3A_176, %gather3A_159 : vector<16xf32>
        %swap3A_178 = arith.index_cast %rem3A_29 : i32 to index
        %swap3A_179 = arith.index_cast %add3A_147 : i32 to index
        %swap3A_180 = arith.constant 16 : index
        %swap3A_181 = tpu.vector_load %arg6[%swap3A_178, %swap3A_179, %swap3A_180] {strides = array<i32>} : memref<4x128x64xf32, #tpu.memory_space<vmem>>, vector<1x1x16xf32>,
        %swap3A_182 = vector.shape_cast %swap3A_181 : vector<1x1x16xf32> to vector<16xf32>
        %swap3A_183 = vector.shape_cast %mul3A_177 : vector<16xf32> to vector<1x1x16xf32>
        tpu.vector_store %arg6[%swap3A_178, %swap3A_179, %swap3A_180], %swap3A_183 {strides = array<i32>} : memref<4x128x64xf32, #tpu.memory_space<vmem>>, vector<1x1x16xf32>,
        %get3A_184 = arith.index_cast %rem3A_29 : i32 to index
        %get3A_185 = arith.index_cast %add3A_147 : i32 to index
        %get3A_186 = arith.constant 32 : index
        %get3A_187 = tpu.vector_load %arg6[%get3A_184, %get3A_185, %get3A_186] {strides = array<i32>} : memref<4x128x64xf32, #tpu.memory_space<vmem>>, vector<1x1x16xf32>,
        %get3A_188 = vector.shape_cast %get3A_187 : vector<1x1x16xf32> to vector<16xf32>
        %mul3A_189 = arith.mulf %get3A_188, %gather3A_159 : vector<16xf32>
        %swap3A_190 = arith.index_cast %rem3A_29 : i32 to index
        %swap3A_191 = arith.index_cast %add3A_147 : i32 to index
        %swap3A_192 = arith.constant 32 : index
        %swap3A_193 = tpu.vector_load %arg6[%swap3A_190, %swap3A_191, %swap3A_192] {strides = array<i32>} : memref<4x128x64xf32, #tpu.memory_space<vmem>>, vector<1x1x16xf32>,
        %swap3A_194 = vector.shape_cast %swap3A_193 : vector<1x1x16xf32> to vector<16xf32>
        %swap3A_195 = vector.shape_cast %mul3A_189 : vector<16xf32> to vector<1x1x16xf32>
        tpu.vector_store %arg6[%swap3A_190, %swap3A_191, %swap3A_192], %swap3A_195 {strides = array<i32>} : memref<4x128x64xf32, #tpu.memory_space<vmem>>, vector<1x1x16xf32>,
        %get3A_196 = arith.index_cast %rem3A_29 : i32 to index
        %get3A_197 = arith.index_cast %add3A_147 : i32 to index
        %get3A_198 = arith.constant 48 : index
        %get3A_199 = tpu.vector_load %arg6[%get3A_196, %get3A_197, %get3A_198] {strides = array<i32>} : memref<4x128x64xf32, #tpu.memory_space<vmem>>, vector<1x1x16xf32>,
        %get3A_200 = vector.shape_cast %get3A_199 : vector<1x1x16xf32> to vector<16xf32>
        %mul3A_201 = arith.mulf %get3A_200, %gather3A_159 : vector<16xf32>
        %swap3A_202 = arith.index_cast %rem3A_29 : i32 to index
        %swap3A_203 = arith.index_cast %add3A_147 : i32 to index
        %swap3A_204 = arith.constant 48 : index
        %swap3A_205 = tpu.vector_load %arg6[%swap3A_202, %swap3A_203, %swap3A_204] {strides = array<i32>} : memref<4x128x64xf32, #tpu.memory_space<vmem>>, vector<1x1x16xf32>,
        %swap3A_206 = vector.shape_cast %swap3A_205 : vector<1x1x16xf32> to vector<16xf32>
        %swap3A_207 = vector.shape_cast %mul3A_201 : vector<16xf32> to vector<1x1x16xf32>
        tpu.vector_store %arg6[%swap3A_202, %swap3A_203, %swap3A_204], %swap3A_207 {strides = array<i32>} : memref<4x128x64xf32, #tpu.memory_space<vmem>>, vector<1x1x16xf32>,
        %mul3A_208 = arith.constant 16 : i32
        %mul3A_209 = arith.muli %scan3A_72, %mul3A_208 : i32
        %add3A_210 = arith.constant 2 : i32
        %add3A_211 = arith.addi %mul3A_209, %add3A_210 : i32
        %broadcast_in_dim3A_212 = arith.constant 2 : i32
        %broadcast_in_dim3A_213 = vector.broadcast %broadcast_in_dim3A_212 : i32 to vector<16xi32>
        %lt3A_214 = arith.constant 0 : i32
        %lt3A_215 = vector.broadcast %lt3A_214 : i32 to vector<16xi32>
        %lt3A_216 = arith.cmpi slt, %broadcast_in_dim3A_213, %lt3A_215 : vector<16xi32>
        %add3A_217 = arith.constant 16 : i32
        %add3A_218 = vector.broadcast %add3A_217 : i32 to vector<16xi32>
        %add3A_219 = arith.addi %broadcast_in_dim3A_213, %add3A_218 : vector<16xi32>
        %select_n3A_220 = arith.select %lt3A_216, %add3A_219, %broadcast_in_dim3A_213 : vector<16xi1>, vector<16xi32>
        %broadcast_in_dim3A_221 = vector.shape_cast %select_n3A_220 : vector<16xi32> to vector<16x1xi32>
        %gather3A_222 = vector.shape_cast %broadcast_in_dim3A_221 : vector<16x1xi32> to vector<16xi32>
        %gather3A_223 = tpu.dynamic_gather %select_n3A[%gather3A_222] in [0] : vector<16xf32>, vector<16xi32> -> vector<16xf32>
        %get3A_224 = arith.index_cast %rem3A_29 : i32 to index
        %get3A_225 = arith.index_cast %add3A_211 : i32 to index
        %get3A_226 = arith.constant 0 : index
        %get3A_227 = tpu.vector_load %arg6[%get3A_224, %get3A_225, %get3A_226] {strides = array<i32>} : memref<4x128x64xf32, #tpu.memory_space<vmem>>, vector<1x1x16xf32>,
        %get3A_228 = vector.shape_cast %get3A_227 : vector<1x1x16xf32> to vector<16xf32>
        %mul3A_229 = arith.mulf %get3A_228, %gather3A_223 : vector<16xf32>
        %swap3A_230 = arith.index_cast %rem3A_29 : i32 to index
        %swap3A_231 = arith.index_cast %add3A_211 : i32 to index
        %swap3A_232 = arith.constant 0 : index
        %swap3A_233 = tpu.vector_load %arg6[%swap3A_230, %swap3A_231, %swap3A_232] {strides = array<i32>} : memref<4x128x64xf32, #tpu.memory_space<vmem>>, vector<1x1x16xf32>,
        %swap3A_234 = vector.shape_cast %swap3A_233 : vector<1x1x16xf32> to vector<16xf32>
        %swap3A_235 = vector.shape_cast %mul3A_229 : vector<16xf32> to vector<1x1x16xf32>
        tpu.vector_store %arg6[%swap3A_230, %swap3A_231, %swap3A_232], %swap3A_235 {strides = array<i32>} : memref<4x128x64xf32, #tpu.memory_space<vmem>>, vector<1x1x16xf32>,
        %get3A_236 = arith.index_cast %rem3A_29 : i32 to index
        %get3A_237 = arith.index_cast %add3A_211 : i32 to index
        %get3A_238 = arith.constant 16 : index
        %get3A_239 = tpu.vector_load %arg6[%get3A_236, %get3A_237, %get3A_238] {strides = array<i32>} : memref<4x128x64xf32, #tpu.memory_space<vmem>>, vector<1x1x16xf32>,
        %get3A_240 = vector.shape_cast %get3A_239 : vector<1x1x16xf32> to vector<16xf32>
        %mul3A_241 = arith.mulf %get3A_240, %gather3A_223 : vector<16xf32>
        %swap3A_242 = arith.index_cast %rem3A_29 : i32 to index
        %swap3A_243 = arith.index_cast %add3A_211 : i32 to index
        %swap3A_244 = arith.constant 16 : index
        %swap3A_245 = tpu.vector_load %arg6[%swap3A_242, %swap3A_243, %swap3A_244] {strides = array<i32>} : memref<4x128x64xf32, #tpu.memory_space<vmem>>, vector<1x1x16xf32>,
        %swap3A_246 = vector.shape_cast %swap3A_245 : vector<1x1x16xf32> to vector<16xf32>
        %swap3A_247 = vector.shape_cast %mul3A_241 : vector<16xf32> to vector<1x1x16xf32>
        tpu.vector_store %arg6[%swap3A_242, %swap3A_243, %swap3A_244], %swap3A_247 {strides = array<i32>} : memref<4x128x64xf32, #tpu.memory_space<vmem>>, vector<1x1x16xf32>,
        %get3A_248 = arith.index_cast %rem3A_29 : i32 to index
        %get3A_249 = arith.index_cast %add3A_211 : i32 to index
        %get3A_250 = arith.constant 32 : index
        %get3A_251 = tpu.vector_load %arg6[%get3A_248, %get3A_249, %get3A_250] {strides = array<i32>} : memref<4x128x64xf32, #tpu.memory_space<vmem>>, vector<1x1x16xf32>,
        %get3A_252 = vector.shape_cast %get3A_251 : vector<1x1x16xf32> to vector<16xf32>
        %mul3A_253 = arith.mulf %get3A_252, %gather3A_223 : vector<16xf32>
        %swap3A_254 = arith.index_cast %rem3A_29 : i32 to index
        %swap3A_255 = arith.index_cast %add3A_211 : i32 to index
        %swap3A_256 = arith.constant 32 : index
        %swap3A_257 = tpu.vector_load %arg6[%swap3A_254, %swap3A_255, %swap3A_256] {strides = array<i32>} : memref<4x128x64xf32, #tpu.memory_space<vmem>>, vector<1x1x16xf32>,
        %swap3A_258 = vector.shape_cast %swap3A_257 : vector<1x1x16xf32> to vector<16xf32>
        %swap3A_259 = vector.shape_cast %mul3A_253 : vector<16xf32> to vector<1x1x16xf32>
        tpu.vector_store %arg6[%swap3A_254, %swap3A_255, %swap3A_256], %swap3A_259 {strides = array<i32>} : memref<4x128x64xf32, #tpu.memory_space<vmem>>, vector<1x1x16xf32>,
        %get3A_260 = arith.index_cast %rem3A_29 : i32 to index
        %get3A_261 = arith.index_cast %add3A_211 : i32 to index
        %get3A_262 = arith.constant 48 : index
        %get3A_263 = tpu.vector_load %arg6[%get3A_260, %get3A_261, %get3A_262] {strides = array<i32>} : memref<4x128x64xf32, #tpu.memory_space<vmem>>, vector<1x1x16xf32>,
        %get3A_264 = vector.shape_cast %get3A_263 : vector<1x1x16xf32> to vector<16xf32>
        %mul3A_265 = arith.mulf %get3A_264, %gather3A_223 : vector<16xf32>
        %swap3A_266 = arith.index_cast %rem3A_29 : i32 to index
        %swap3A_267 = arith.index_cast %add3A_211 : i32 to index
        %swap3A_268 = arith.constant 48 : index
        %swap3A_269 = tpu.vector_load %arg6[%swap3A_266, %swap3A_267, %swap3A_268] {strides = array<i32>} : memref<4x128x64xf32, #tpu.memory_space<vmem>>, vector<1x1x16xf32>,
        %swap3A_270 = vector.shape_cast %swap3A_269 : vector<1x1x16xf32> to vector<16xf32>
        %swap3A_271 = vector.shape_cast %mul3A_265 : vector<16xf32> to vector<1x1x16xf32>
        tpu.vector_store %arg6[%swap3A_266, %swap3A_267, %swap3A_268], %swap3A_271 {strides = array<i32>} : memref<4x128x64xf32, #tpu.memory_space<vmem>>, vector<1x1x16xf32>,
        %mul3A_272 = arith.constant 16 : i32
        %mul3A_273 = arith.muli %scan3A_72, %mul3A_272 : i32
        %add3A_274 = arith.constant 3 : i32
        %add3A_275 = arith.addi %mul3A_273, %add3A_274 : i32
        %broadcast_in_dim3A_276 = arith.constant 3 : i32
        %broadcast_in_dim3A_277 = vector.broadcast %broadcast_in_dim3A_276 : i32 to vector<16xi32>
        %lt3A_278 = arith.constant 0 : i32
        %lt3A_279 = vector.broadcast %lt3A_278 : i32 to vector<16xi32>
        %lt3A_280 = arith.cmpi slt, %broadcast_in_dim3A_277, %lt3A_279 : vector<16xi32>
        %add3A_281 = arith.constant 16 : i32
        %add3A_282 = vector.broadcast %add3A_281 : i32 to vector<16xi32>
        %add3A_283 = arith.addi %broadcast_in_dim3A_277, %add3A_282 : vector<16xi32>
        %select_n3A_284 = arith.select %lt3A_280, %add3A_283, %broadcast_in_dim3A_277 : vector<16xi1>, vector<16xi32>
        %broadcast_in_dim3A_285 = vector.shape_cast %select_n3A_284 : vector<16xi32> to vector<16x1xi32>
        %gather3A_286 = vector.shape_cast %broadcast_in_dim3A_285 : vector<16x1xi32> to vector<16xi32>
        %gather3A_287 = tpu.dynamic_gather %select_n3A[%gather3A_286] in [0] : vector<16xf32>, vector<16xi32> -> vector<16xf32>
        %get3A_288 = arith.index_cast %rem3A_29 : i32 to index
        %get3A_289 = arith.index_cast %add3A_275 : i32 to index
        %get3A_290 = arith.constant 0 : index
        %get3A_291 = tpu.vector_load %arg6[%get3A_288, %get3A_289, %get3A_290] {strides = array<i32>} : memref<4x128x64xf32, #tpu.memory_space<vmem>>, vector<1x1x16xf32>,
        %get3A_292 = vector.shape_cast %get3A_291 : vector<1x1x16xf32> to vector<16xf32>
        %mul3A_293 = arith.mulf %get3A_292, %gather3A_287 : vector<16xf32>
        %swap3A_294 = arith.index_cast %rem3A_29 : i32 to index
        %swap3A_295 = arith.index_cast %add3A_275 : i32 to index
        %swap3A_296 = arith.constant 0 : index
        %swap3A_297 = tpu.vector_load %arg6[%swap3A_294, %swap3A_295, %swap3A_296] {strides = array<i32>} : memref<4x128x64xf32, #tpu.memory_space<vmem>>, vector<1x1x16xf32>,
        %swap3A_298 = vector.shape_cast %swap3A_297 : vector<1x1x16xf32> to vector<16xf32>
        %swap3A_299 = vector.shape_cast %mul3A_293 : vector<16xf32> to vector<1x1x16xf32>
        tpu.vector_store %arg6[%swap3A_294, %swap3A_295, %swap3A_296], %swap3A_299 {strides = array<i32>} : memref<4x128x64xf32, #tpu.memory_space<vmem>>, vector<1x1x16xf32>,
        %get3A_300 = arith.index_cast %rem3A_29 : i32 to index
        %get3A_301 = arith.index_cast %add3A_275 : i32 to index
        %get3A_302 = arith.constant 16 : index
        %get3A_303 = tpu.vector_load %arg6[%get3A_300, %get3A_301, %get3A_302] {strides = array<i32>} : memref<4x128x64xf32, #tpu.memory_space<vmem>>, vector<1x1x16xf32>,
        %get3A_304 = vector.shape_cast %get3A_303 : vector<1x1x16xf32> to vector<16xf32>
        %mul3A_305 = arith.mulf %get3A_304, %gather3A_287 : vector<16xf32>
        %swap3A_306 = arith.index_cast %rem3A_29 : i32 to index
        %swap3A_307 = arith.index_cast %add3A_275 : i32 to index
        %swap3A_308 = arith.constant 16 : index
        %swap3A_309 = tpu.vector_load %arg6[%swap3A_306, %swap3A_307, %swap3A_308] {strides = array<i32>} : memref<4x128x64xf32, #tpu.memory_space<vmem>>, vector<1x1x16xf32>,
        %swap3A_310 = vector.shape_cast %swap3A_309 : vector<1x1x16xf32> to vector<16xf32>
        %swap3A_311 = vector.shape_cast %mul3A_305 : vector<16xf32> to vector<1x1x16xf32>
        tpu.vector_store %arg6[%swap3A_306, %swap3A_307, %swap3A_308], %swap3A_311 {strides = array<i32>} : memref<4x128x64xf32, #tpu.memory_space<vmem>>, vector<1x1x16xf32>,
        %get3A_312 = arith.index_cast %rem3A_29 : i32 to index
        %get3A_313 = arith.index_cast %add3A_275 : i32 to index
        %get3A_314 = arith.constant 32 : index
        %get3A_315 = tpu.vector_load %arg6[%get3A_312, %get3A_313, %get3A_314] {strides = array<i32>} : memref<4x128x64xf32, #tpu.memory_space<vmem>>, vector<1x1x16xf32>,
        %get3A_316 = vector.shape_cast %get3A_315 : vector<1x1x16xf32> to vector<16xf32>
        %mul3A_317 = arith.mulf %get3A_316, %gather3A_287 : vector<16xf32>
        %swap3A_318 = arith.index_cast %rem3A_29 : i32 to index
        %swap3A_319 = arith.index_cast %add3A_275 : i32 to index
        %swap3A_320 = arith.constant 32 : index
        %swap3A_321 = tpu.vector_load %arg6[%swap3A_318, %swap3A_319, %swap3A_320] {strides = array<i32>} : memref<4x128x64xf32, #tpu.memory_space<vmem>>, vector<1x1x16xf32>,
        %swap3A_322 = vector.shape_cast %swap3A_321 : vector<1x1x16xf32> to vector<16xf32>
        %swap3A_323 = vector.shape_cast %mul3A_317 : vector<16xf32> to vector<1x1x16xf32>
        tpu.vector_store %arg6[%swap3A_318, %swap3A_319, %swap3A_320], %swap3A_323 {strides = array<i32>} : memref<4x128x64xf32, #tpu.memory_space<vmem>>, vector<1x1x16xf32>,
        %get3A_324 = arith.index_cast %rem3A_29 : i32 to index
        %get3A_325 = arith.index_cast %add3A_275 : i32 to index
        %get3A_326 = arith.constant 48 : index
        %get3A_327 = tpu.vector_load %arg6[%get3A_324, %get3A_325, %get3A_326] {strides = array<i32>} : memref<4x128x64xf32, #tpu.memory_space<vmem>>, vector<1x1x16xf32>,
        %get3A_328 = vector.shape_cast %get3A_327 : vector<1x1x16xf32> to vector<16xf32>
        %mul3A_329 = arith.mulf %get3A_328, %gather3A_287 : vector<16xf32>
        %swap3A_330 = arith.index_cast %rem3A_29 : i32 to index
        %swap3A_331 = arith.index_cast %add3A_275 : i32 to index
        %swap3A_332 = arith.constant 48 : index
        %swap3A_333 = tpu.vector_load %arg6[%swap3A_330, %swap3A_331, %swap3A_332] {strides = array<i32>} : memref<4x128x64xf32, #tpu.memory_space<vmem>>, vector<1x1x16xf32>,
        %swap3A_334 = vector.shape_cast %swap3A_333 : vector<1x1x16xf32> to vector<16xf32>
        %swap3A_335 = vector.shape_cast %mul3A_329 : vector<16xf32> to vector<1x1x16xf32>
        tpu.vector_store %arg6[%swap3A_330, %swap3A_331, %swap3A_332], %swap3A_335 {strides = array<i32>} : memref<4x128x64xf32, #tpu.memory_space<vmem>>, vector<1x1x16xf32>,
        %mul3A_336 = arith.constant 16 : i32
        %mul3A_337 = arith.muli %scan3A_72, %mul3A_336 : i32
        %add3A_338 = arith.constant 4 : i32
        %add3A_339 = arith.addi %mul3A_337, %add3A_338 : i32
        %broadcast_in_dim3A_340 = arith.constant 4 : i32
        %broadcast_in_dim3A_341 = vector.broadcast %broadcast_in_dim3A_340 : i32 to vector<16xi32>
        %lt3A_342 = arith.constant 0 : i32
        %lt3A_343 = vector.broadcast %lt3A_342 : i32 to vector<16xi32>
        %lt3A_344 = arith.cmpi slt, %broadcast_in_dim3A_341, %lt3A_343 : vector<16xi32>
        %add3A_345 = arith.constant 16 : i32
        %add3A_346 = vector.broadcast %add3A_345 : i32 to vector<16xi32>
        %add3A_347 = arith.addi %broadcast_in_dim3A_341, %add3A_346 : vector<16xi32>
        %select_n3A_348 = arith.select %lt3A_344, %add3A_347, %broadcast_in_dim3A_341 : vector<16xi1>, vector<16xi32>
        %broadcast_in_dim3A_349 = vector.shape_cast %select_n3A_348 : vector<16xi32> to vector<16x1xi32>
        %gather3A_350 = vector.shape_cast %broadcast_in_dim3A_349 : vector<16x1xi32> to vector<16xi32>
        %gather3A_351 = tpu.dynamic_gather %select_n3A[%gather3A_350] in [0] : vector<16xf32>, vector<16xi32> -> vector<16xf32>
        %get3A_352 = arith.index_cast %rem3A_29 : i32 to index
        %get3A_353 = arith.index_cast %add3A_339 : i32 to index
        %get3A_354 = arith.constant 0 : index
        %get3A_355 = tpu.vector_load %arg6[%get3A_352, %get3A_353, %get3A_354] {strides = array<i32>} : memref<4x128x64xf32, #tpu.memory_space<vmem>>, vector<1x1x16xf32>,
        %get3A_356 = vector.shape_cast %get3A_355 : vector<1x1x16xf32> to vector<16xf32>
        %mul3A_357 = arith.mulf %get3A_356, %gather3A_351 : vector<16xf32>
        %swap3A_358 = arith.index_cast %rem3A_29 : i32 to index
        %swap3A_359 = arith.index_cast %add3A_339 : i32 to index
        %swap3A_360 = arith.constant 0 : index
        %swap3A_361 = tpu.vector_load %arg6[%swap3A_358, %swap3A_359, %swap3A_360] {strides = array<i32>} : memref<4x128x64xf32, #tpu.memory_space<vmem>>, vector<1x1x16xf32>,
        %swap3A_362 = vector.shape_cast %swap3A_361 : vector<1x1x16xf32> to vector<16xf32>
        %swap3A_363 = vector.shape_cast %mul3A_357 : vector<16xf32> to vector<1x1x16xf32>
        tpu.vector_store %arg6[%swap3A_358, %swap3A_359, %swap3A_360], %swap3A_363 {strides = array<i32>} : memref<4x128x64xf32, #tpu.memory_space<vmem>>, vector<1x1x16xf32>,
        %get3A_364 = arith.index_cast %rem3A_29 : i32 to index
        %get3A_365 = arith.index_cast %add3A_339 : i32 to index
        %get3A_366 = arith.constant 16 : index
        %get3A_367 = tpu.vector_load %arg6[%get3A_364, %get3A_365, %get3A_366] {strides = array<i32>} : memref<4x128x64xf32, #tpu.memory_space<vmem>>, vector<1x1x16xf32>,
        %get3A_368 = vector.shape_cast %get3A_367 : vector<1x1x16xf32> to vector<16xf32>
        %mul3A_369 = arith.mulf %get3A_368, %gather3A_351 : vector<16xf32>
        %swap3A_370 = arith.index_cast %rem3A_29 : i32 to index
        %swap3A_371 = arith.index_cast %add3A_339 : i32 to index
        %swap3A_372 = arith.constant 16 : index
        %swap3A_373 = tpu.vector_load %arg6[%swap3A_370, %swap3A_371, %swap3A_372] {strides = array<i32>} : memref<4x128x64xf32, #tpu.memory_space<vmem>>, vector<1x1x16xf32>,
        %swap3A_374 = vector.shape_cast %swap3A_373 : vector<1x1x16xf32> to vector<16xf32>
        %swap3A_375 = vector.shape_cast %mul3A_369 : vector<16xf32> to vector<1x1x16xf32>
        tpu.vector_store %arg6[%swap3A_370, %swap3A_371, %swap3A_372], %swap3A_375 {strides = array<i32>} : memref<4x128x64xf32, #tpu.memory_space<vmem>>, vector<1x1x16xf32>,
        %get3A_376 = arith.index_cast %rem3A_29 : i32 to index
        %get3A_377 = arith.index_cast %add3A_339 : i32 to index
        %get3A_378 = arith.constant 32 : index
        %get3A_379 = tpu.vector_load %arg6[%get3A_376, %get3A_377, %get3A_378] {strides = array<i32>} : memref<4x128x64xf32, #tpu.memory_space<vmem>>, vector<1x1x16xf32>,
        %get3A_380 = vector.shape_cast %get3A_379 : vector<1x1x16xf32> to vector<16xf32>
        %mul3A_381 = arith.mulf %get3A_380, %gather3A_351 : vector<16xf32>
        %swap3A_382 = arith.index_cast %rem3A_29 : i32 to index
        %swap3A_383 = arith.index_cast %add3A_339 : i32 to index
        %swap3A_384 = arith.constant 32 : index
        %swap3A_385 = tpu.vector_load %arg6[%swap3A_382, %swap3A_383, %swap3A_384] {strides = array<i32>} : memref<4x128x64xf32, #tpu.memory_space<vmem>>, vector<1x1x16xf32>,
        %swap3A_386 = vector.shape_cast %swap3A_385 : vector<1x1x16xf32> to vector<16xf32>
        %swap3A_387 = vector.shape_cast %mul3A_381 : vector<16xf32> to vector<1x1x16xf32>
        tpu.vector_store %arg6[%swap3A_382, %swap3A_383, %swap3A_384], %swap3A_387 {strides = array<i32>} : memref<4x128x64xf32, #tpu.memory_space<vmem>>, vector<1x1x16xf32>,
        %get3A_388 = arith.index_cast %rem3A_29 : i32 to index
        %get3A_389 = arith.index_cast %add3A_339 : i32 to index
        %get3A_390 = arith.constant 48 : index
        %get3A_391 = tpu.vector_load %arg6[%get3A_388, %get3A_389, %get3A_390] {strides = array<i32>} : memref<4x128x64xf32, #tpu.memory_space<vmem>>, vector<1x1x16xf32>,
        %get3A_392 = vector.shape_cast %get3A_391 : vector<1x1x16xf32> to vector<16xf32>
        %mul3A_393 = arith.mulf %get3A_392, %gather3A_351 : vector<16xf32>
        %swap3A_394 = arith.index_cast %rem3A_29 : i32 to index
        %swap3A_395 = arith.index_cast %add3A_339 : i32 to index
        %swap3A_396 = arith.constant 48 : index
        %swap3A_397 = tpu.vector_load %arg6[%swap3A_394, %swap3A_395, %swap3A_396] {strides = array<i32>} : memref<4x128x64xf32, #tpu.memory_space<vmem>>, vector<1x1x16xf32>,
        %swap3A_398 = vector.shape_cast %swap3A_397 : vector<1x1x16xf32> to vector<16xf32>
        %swap3A_399 = vector.shape_cast %mul3A_393 : vector<16xf32> to vector<1x1x16xf32>
        tpu.vector_store %arg6[%swap3A_394, %swap3A_395, %swap3A_396], %swap3A_399 {strides = array<i32>} : memref<4x128x64xf32, #tpu.memory_space<vmem>>, vector<1x1x16xf32>,
        %mul3A_400 = arith.constant 16 : i32
        %mul3A_401 = arith.muli %scan3A_72, %mul3A_400 : i32
        %add3A_402 = arith.constant 5 : i32
        %add3A_403 = arith.addi %mul3A_401, %add3A_402 : i32
        %broadcast_in_dim3A_404 = arith.constant 5 : i32
        %broadcast_in_dim3A_405 = vector.broadcast %broadcast_in_dim3A_404 : i32 to vector<16xi32>
        %lt3A_406 = arith.constant 0 : i32
        %lt3A_407 = vector.broadcast %lt3A_406 : i32 to vector<16xi32>
        %lt3A_408 = arith.cmpi slt, %broadcast_in_dim3A_405, %lt3A_407 : vector<16xi32>
        %add3A_409 = arith.constant 16 : i32
        %add3A_410 = vector.broadcast %add3A_409 : i32 to vector<16xi32>
        %add3A_411 = arith.addi %broadcast_in_dim3A_405, %add3A_410 : vector<16xi32>
        %select_n3A_412 = arith.select %lt3A_408, %add3A_411, %broadcast_in_dim3A_405 : vector<16xi1>, vector<16xi32>
        %broadcast_in_dim3A_413 = vector.shape_cast %select_n3A_412 : vector<16xi32> to vector<16x1xi32>
        %gather3A_414 = vector.shape_cast %broadcast_in_dim3A_413 : vector<16x1xi32> to vector<16xi32>
        %gather3A_415 = tpu.dynamic_gather %select_n3A[%gather3A_414] in [0] : vector<16xf32>, vector<16xi32> -> vector<16xf32>
        %get3A_416 = arith.index_cast %rem3A_29 : i32 to index
        %get3A_417 = arith.index_cast %add3A_403 : i32 to index
        %get3A_418 = arith.constant 0 : index
        %get3A_419 = tpu.vector_load %arg6[%get3A_416, %get3A_417, %get3A_418] {strides = array<i32>} : memref<4x128x64xf32, #tpu.memory_space<vmem>>, vector<1x1x16xf32>,
        %get3A_420 = vector.shape_cast %get3A_419 : vector<1x1x16xf32> to vector<16xf32>
        %mul3A_421 = arith.mulf %get3A_420, %gather3A_415 : vector<16xf32>
        %swap3A_422 = arith.index_cast %rem3A_29 : i32 to index
        %swap3A_423 = arith.index_cast %add3A_403 : i32 to index
        %swap3A_424 = arith.constant 0 : index
        %swap3A_425 = tpu.vector_load %arg6[%swap3A_422, %swap3A_423, %swap3A_424] {strides = array<i32>} : memref<4x128x64xf32, #tpu.memory_space<vmem>>, vector<1x1x16xf32>,
        %swap3A_426 = vector.shape_cast %swap3A_425 : vector<1x1x16xf32> to vector<16xf32>
        %swap3A_427 = vector.shape_cast %mul3A_421 : vector<16xf32> to vector<1x1x16xf32>
        tpu.vector_store %arg6[%swap3A_422, %swap3A_423, %swap3A_424], %swap3A_427 {strides = array<i32>} : memref<4x128x64xf32, #tpu.memory_space<vmem>>, vector<1x1x16xf32>,
        %get3A_428 = arith.index_cast %rem3A_29 : i32 to index
        %get3A_429 = arith.index_cast %add3A_403 : i32 to index
        %get3A_430 = arith.constant 16 : index
        %get3A_431 = tpu.vector_load %arg6[%get3A_428, %get3A_429, %get3A_430] {strides = array<i32>} : memref<4x128x64xf32, #tpu.memory_space<vmem>>, vector<1x1x16xf32>,
        %get3A_432 = vector.shape_cast %get3A_431 : vector<1x1x16xf32> to vector<16xf32>
        %mul3A_433 = arith.mulf %get3A_432, %gather3A_415 : vector<16xf32>
        %swap3A_434 = arith.index_cast %rem3A_29 : i32 to index
        %swap3A_435 = arith.index_cast %add3A_403 : i32 to index
        %swap3A_436 = arith.constant 16 : index
        %swap3A_437 = tpu.vector_load %arg6[%swap3A_434, %swap3A_435, %swap3A_436] {strides = array<i32>} : memref<4x128x64xf32, #tpu.memory_space<vmem>>, vector<1x1x16xf32>,
        %swap3A_438 = vector.shape_cast %swap3A_437 : vector<1x1x16xf32> to vector<16xf32>
        %swap3A_439 = vector.shape_cast %mul3A_433 : vector<16xf32> to vector<1x1x16xf32>
        tpu.vector_store %arg6[%swap3A_434, %swap3A_435, %swap3A_436], %swap3A_439 {strides = array<i32>} : memref<4x128x64xf32, #tpu.memory_space<vmem>>, vector<1x1x16xf32>,
        %get3A_440 = arith.index_cast %rem3A_29 : i32 to index
        %get3A_441 = arith.index_cast %add3A_403 : i32 to index
        %get3A_442 = arith.constant 32 : index
        %get3A_443 = tpu.vector_load %arg6[%get3A_440, %get3A_441, %get3A_442] {strides = array<i32>} : memref<4x128x64xf32, #tpu.memory_space<vmem>>, vector<1x1x16xf32>,
        %get3A_444 = vector.shape_cast %get3A_443 : vector<1x1x16xf32> to vector<16xf32>
        %mul3A_445 = arith.mulf %get3A_444, %gather3A_415 : vector<16xf32>
        %swap3A_446 = arith.index_cast %rem3A_29 : i32 to index
        %swap3A_447 = arith.index_cast %add3A_403 : i32 to index
        %swap3A_448 = arith.constant 32 : index
        %swap3A_449 = tpu.vector_load %arg6[%swap3A_446, %swap3A_447, %swap3A_448] {strides = array<i32>} : memref<4x128x64xf32, #tpu.memory_space<vmem>>, vector<1x1x16xf32>,
        %swap3A_450 = vector.shape_cast %swap3A_449 : vector<1x1x16xf32> to vector<16xf32>
        %swap3A_451 = vector.shape_cast %mul3A_445 : vector<16xf32> to vector<1x1x16xf32>
        tpu.vector_store %arg6[%swap3A_446, %swap3A_447, %swap3A_448], %swap3A_451 {strides = array<i32>} : memref<4x128x64xf32, #tpu.memory_space<vmem>>, vector<1x1x16xf32>,
        %get3A_452 = arith.index_cast %rem3A_29 : i32 to index
        %get3A_453 = arith.index_cast %add3A_403 : i32 to index
        %get3A_454 = arith.constant 48 : index
        %get3A_455 = tpu.vector_load %arg6[%get3A_452, %get3A_453, %get3A_454] {strides = array<i32>} : memref<4x128x64xf32, #tpu.memory_space<vmem>>, vector<1x1x16xf32>,
        %get3A_456 = vector.shape_cast %get3A_455 : vector<1x1x16xf32> to vector<16xf32>
        %mul3A_457 = arith.mulf %get3A_456, %gather3A_415 : vector<16xf32>
        %swap3A_458 = arith.index_cast %rem3A_29 : i32 to index
        %swap3A_459 = arith.index_cast %add3A_403 : i32 to index
        %swap3A_460 = arith.constant 48 : index
        %swap3A_461 = tpu.vector_load %arg6[%swap3A_458, %swap3A_459, %swap3A_460] {strides = array<i32>} : memref<4x128x64xf32, #tpu.memory_space<vmem>>, vector<1x1x16xf32>,
        %swap3A_462 = vector.shape_cast %swap3A_461 : vector<1x1x16xf32> to vector<16xf32>
        %swap3A_463 = vector.shape_cast %mul3A_457 : vector<16xf32> to vector<1x1x16xf32>
        tpu.vector_store %arg6[%swap3A_458, %swap3A_459, %swap3A_460], %swap3A_463 {strides = array<i32>} : memref<4x128x64xf32, #tpu.memory_space<vmem>>, vector<1x1x16xf32>,
        %mul3A_464 = arith.constant 16 : i32
        %mul3A_465 = arith.muli %scan3A_72, %mul3A_464 : i32
        %add3A_466 = arith.constant 6 : i32
        %add3A_467 = arith.addi %mul3A_465, %add3A_466 : i32
        %broadcast_in_dim3A_468 = arith.constant 6 : i32
        %broadcast_in_dim3A_469 = vector.broadcast %broadcast_in_dim3A_468 : i32 to vector<16xi32>
        %lt3A_470 = arith.constant 0 : i32
        %lt3A_471 = vector.broadcast %lt3A_470 : i32 to vector<16xi32>
        %lt3A_472 = arith.cmpi slt, %broadcast_in_dim3A_469, %lt3A_471 : vector<16xi32>
        %add3A_473 = arith.constant 16 : i32
        %add3A_474 = vector.broadcast %add3A_473 : i32 to vector<16xi32>
        %add3A_475 = arith.addi %broadcast_in_dim3A_469, %add3A_474 : vector<16xi32>
        %select_n3A_476 = arith.select %lt3A_472, %add3A_475, %broadcast_in_dim3A_469 : vector<16xi1>, vector<16xi32>
        %broadcast_in_dim3A_477 = vector.shape_cast %select_n3A_476 : vector<16xi32> to vector<16x1xi32>
        %gather3A_478 = vector.shape_cast %broadcast_in_dim3A_477 : vector<16x1xi32> to vector<16xi32>
        %gather3A_479 = tpu.dynamic_gather %select_n3A[%gather3A_478] in [0] : vector<16xf32>, vector<16xi32> -> vector<16xf32>
        %get3A_480 = arith.index_cast %rem3A_29 : i32 to index
        %get3A_481 = arith.index_cast %add3A_467 : i32 to index
        %get3A_482 = arith.constant 0 : index
        %get3A_483 = tpu.vector_load %arg6[%get3A_480, %get3A_481, %get3A_482] {strides = array<i32>} : memref<4x128x64xf32, #tpu.memory_space<vmem>>, vector<1x1x16xf32>,
        %get3A_484 = vector.shape_cast %get3A_483 : vector<1x1x16xf32> to vector<16xf32>
        %mul3A_485 = arith.mulf %get3A_484, %gather3A_479 : vector<16xf32>
        %swap3A_486 = arith.index_cast %rem3A_29 : i32 to index
        %swap3A_487 = arith.index_cast %add3A_467 : i32 to index
        %swap3A_488 = arith.constant 0 : index
        %swap3A_489 = tpu.vector_load %arg6[%swap3A_486, %swap3A_487, %swap3A_488] {strides = array<i32>} : memref<4x128x64xf32, #tpu.memory_space<vmem>>, vector<1x1x16xf32>,
        %swap3A_490 = vector.shape_cast %swap3A_489 : vector<1x1x16xf32> to vector<16xf32>
        %swap3A_491 = vector.shape_cast %mul3A_485 : vector<16xf32> to vector<1x1x16xf32>
        tpu.vector_store %arg6[%swap3A_486, %swap3A_487, %swap3A_488], %swap3A_491 {strides = array<i32>} : memref<4x128x64xf32, #tpu.memory_space<vmem>>, vector<1x1x16xf32>,
        %get3A_492 = arith.index_cast %rem3A_29 : i32 to index
        %get3A_493 = arith.index_cast %add3A_467 : i32 to index
        %get3A_494 = arith.constant 16 : index
        %get3A_495 = tpu.vector_load %arg6[%get3A_492, %get3A_493, %get3A_494] {strides = array<i32>} : memref<4x128x64xf32, #tpu.memory_space<vmem>>, vector<1x1x16xf32>,
        %get3A_496 = vector.shape_cast %get3A_495 : vector<1x1x16xf32> to vector<16xf32>
        %mul3A_497 = arith.mulf %get3A_496, %gather3A_479 : vector<16xf32>
        %swap3A_498 = arith.index_cast %rem3A_29 : i32 to index
        %swap3A_499 = arith.index_cast %add3A_467 : i32 to index
        %swap3A_500 = arith.constant 16 : index
        %swap3A_501 = tpu.vector_load %arg6[%swap3A_498, %swap3A_499, %swap3A_500] {strides = array<i32>} : memref<4x128x64xf32, #tpu.memory_space<vmem>>, vector<1x1x16xf32>,
        %swap3A_502 = vector.shape_cast %swap3A_501 : vector<1x1x16xf32> to vector<16xf32>
        %swap3A_503 = vector.shape_cast %mul3A_497 : vector<16xf32> to vector<1x1x16xf32>
        tpu.vector_store %arg6[%swap3A_498, %swap3A_499, %swap3A_500], %swap3A_503 {strides = array<i32>} : memref<4x128x64xf32, #tpu.memory_space<vmem>>, vector<1x1x16xf32>,
        %get3A_504 = arith.index_cast %rem3A_29 : i32 to index
        %get3A_505 = arith.index_cast %add3A_467 : i32 to index
        %get3A_506 = arith.constant 32 : index
        %get3A_507 = tpu.vector_load %arg6[%get3A_504, %get3A_505, %get3A_506] {strides = array<i32>} : memref<4x128x64xf32, #tpu.memory_space<vmem>>, vector<1x1x16xf32>,
        %get3A_508 = vector.shape_cast %get3A_507 : vector<1x1x16xf32> to vector<16xf32>
        %mul3A_509 = arith.mulf %get3A_508, %gather3A_479 : vector<16xf32>
        %swap3A_510 = arith.index_cast %rem3A_29 : i32 to index
        %swap3A_511 = arith.index_cast %add3A_467 : i32 to index
        %swap3A_512 = arith.constant 32 : index
        %swap3A_513 = tpu.vector_load %arg6[%swap3A_510, %swap3A_511, %swap3A_512] {strides = array<i32>} : memref<4x128x64xf32, #tpu.memory_space<vmem>>, vector<1x1x16xf32>,
        %swap3A_514 = vector.shape_cast %swap3A_513 : vector<1x1x16xf32> to vector<16xf32>
        %swap3A_515 = vector.shape_cast %mul3A_509 : vector<16xf32> to vector<1x1x16xf32>
        tpu.vector_store %arg6[%swap3A_510, %swap3A_511, %swap3A_512], %swap3A_515 {strides = array<i32>} : memref<4x128x64xf32, #tpu.memory_space<vmem>>, vector<1x1x16xf32>,
        %get3A_516 = arith.index_cast %rem3A_29 : i32 to index
        %get3A_517 = arith.index_cast %add3A_467 : i32 to index
        %get3A_518 = arith.constant 48 : index
        %get3A_519 = tpu.vector_load %arg6[%get3A_516, %get3A_517, %get3A_518] {strides = array<i32>} : memref<4x128x64xf32, #tpu.memory_space<vmem>>, vector<1x1x16xf32>,
        %get3A_520 = vector.shape_cast %get3A_519 : vector<1x1x16xf32> to vector<16xf32>
        %mul3A_521 = arith.mulf %get3A_520, %gather3A_479 : vector<16xf32>
        %swap3A_522 = arith.index_cast %rem3A_29 : i32 to index
        %swap3A_523 = arith.index_cast %add3A_467 : i32 to index
        %swap3A_524 = arith.constant 48 : index
        %swap3A_525 = tpu.vector_load %arg6[%swap3A_522, %swap3A_523, %swap3A_524] {strides = array<i32>} : memref<4x128x64xf32, #tpu.memory_space<vmem>>, vector<1x1x16xf32>,
        %swap3A_526 = vector.shape_cast %swap3A_525 : vector<1x1x16xf32> to vector<16xf32>
        %swap3A_527 = vector.shape_cast %mul3A_521 : vector<16xf32> to vector<1x1x16xf32>
        tpu.vector_store %arg6[%swap3A_522, %swap3A_523, %swap3A_524], %swap3A_527 {strides = array<i32>} : memref<4x128x64xf32, #tpu.memory_space<vmem>>, vector<1x1x16xf32>,
        %mul3A_528 = arith.constant 16 : i32
        %mul3A_529 = arith.muli %scan3A_72, %mul3A_528 : i32
        %add3A_530 = arith.constant 7 : i32
        %add3A_531 = arith.addi %mul3A_529, %add3A_530 : i32
        %broadcast_in_dim3A_532 = arith.constant 7 : i32
        %broadcast_in_dim3A_533 = vector.broadcast %broadcast_in_dim3A_532 : i32 to vector<16xi32>
        %lt3A_534 = arith.constant 0 : i32
        %lt3A_535 = vector.broadcast %lt3A_534 : i32 to vector<16xi32>
        %lt3A_536 = arith.cmpi slt, %broadcast_in_dim3A_533, %lt3A_535 : vector<16xi32>
        %add3A_537 = arith.constant 16 : i32
        %add3A_538 = vector.broadcast %add3A_537 : i32 to vector<16xi32>
        %add3A_539 = arith.addi %broadcast_in_dim3A_533, %add3A_538 : vector<16xi32>
        %select_n3A_540 = arith.select %lt3A_536, %add3A_539, %broadcast_in_dim3A_533 : vector<16xi1>, vector<16xi32>
        %broadcast_in_dim3A_541 = vector.shape_cast %select_n3A_540 : vector<16xi32> to vector<16x1xi32>
        %gather3A_542 = vector.shape_cast %broadcast_in_dim3A_541 : vector<16x1xi32> to vector<16xi32>
        %gather3A_543 = tpu.dynamic_gather %select_n3A[%gather3A_542] in [0] : vector<16xf32>, vector<16xi32> -> vector<16xf32>
        %get3A_544 = arith.index_cast %rem3A_29 : i32 to index
        %get3A_545 = arith.index_cast %add3A_531 : i32 to index
        %get3A_546 = arith.constant 0 : index
        %get3A_547 = tpu.vector_load %arg6[%get3A_544, %get3A_545, %get3A_546] {strides = array<i32>} : memref<4x128x64xf32, #tpu.memory_space<vmem>>, vector<1x1x16xf32>,
        %get3A_548 = vector.shape_cast %get3A_547 : vector<1x1x16xf32> to vector<16xf32>
        %mul3A_549 = arith.mulf %get3A_548, %gather3A_543 : vector<16xf32>
        %swap3A_550 = arith.index_cast %rem3A_29 : i32 to index
        %swap3A_551 = arith.index_cast %add3A_531 : i32 to index
        %swap3A_552 = arith.constant 0 : index
        %swap3A_553 = tpu.vector_load %arg6[%swap3A_550, %swap3A_551, %swap3A_552] {strides = array<i32>} : memref<4x128x64xf32, #tpu.memory_space<vmem>>, vector<1x1x16xf32>,
        %swap3A_554 = vector.shape_cast %swap3A_553 : vector<1x1x16xf32> to vector<16xf32>
        %swap3A_555 = vector.shape_cast %mul3A_549 : vector<16xf32> to vector<1x1x16xf32>
        tpu.vector_store %arg6[%swap3A_550, %swap3A_551, %swap3A_552], %swap3A_555 {strides = array<i32>} : memref<4x128x64xf32, #tpu.memory_space<vmem>>, vector<1x1x16xf32>,
        %get3A_556 = arith.index_cast %rem3A_29 : i32 to index
        %get3A_557 = arith.index_cast %add3A_531 : i32 to index
        %get3A_558 = arith.constant 16 : index
        %get3A_559 = tpu.vector_load %arg6[%get3A_556, %get3A_557, %get3A_558] {strides = array<i32>} : memref<4x128x64xf32, #tpu.memory_space<vmem>>, vector<1x1x16xf32>,
        %get3A_560 = vector.shape_cast %get3A_559 : vector<1x1x16xf32> to vector<16xf32>
        %mul3A_561 = arith.mulf %get3A_560, %gather3A_543 : vector<16xf32>
        %swap3A_562 = arith.index_cast %rem3A_29 : i32 to index
        %swap3A_563 = arith.index_cast %add3A_531 : i32 to index
        %swap3A_564 = arith.constant 16 : index
        %swap3A_565 = tpu.vector_load %arg6[%swap3A_562, %swap3A_563, %swap3A_564] {strides = array<i32>} : memref<4x128x64xf32, #tpu.memory_space<vmem>>, vector<1x1x16xf32>,
        %swap3A_566 = vector.shape_cast %swap3A_565 : vector<1x1x16xf32> to vector<16xf32>
        %swap3A_567 = vector.shape_cast %mul3A_561 : vector<16xf32> to vector<1x1x16xf32>
        tpu.vector_store %arg6[%swap3A_562, %swap3A_563, %swap3A_564], %swap3A_567 {strides = array<i32>} : memref<4x128x64xf32, #tpu.memory_space<vmem>>, vector<1x1x16xf32>,
        %get3A_568 = arith.index_cast %rem3A_29 : i32 to index
        %get3A_569 = arith.index_cast %add3A_531 : i32 to index
        %get3A_570 = arith.constant 32 : index
        %get3A_571 = tpu.vector_load %arg6[%get3A_568, %get3A_569, %get3A_570] {strides = array<i32>} : memref<4x128x64xf32, #tpu.memory_space<vmem>>, vector<1x1x16xf32>,
        %get3A_572 = vector.shape_cast %get3A_571 : vector<1x1x16xf32> to vector<16xf32>
        %mul3A_573 = arith.mulf %get3A_572, %gather3A_543 : vector<16xf32>
        %swap3A_574 = arith.index_cast %rem3A_29 : i32 to index
        %swap3A_575 = arith.index_cast %add3A_531 : i32 to index
        %swap3A_576 = arith.constant 32 : index
        %swap3A_577 = tpu.vector_load %arg6[%swap3A_574, %swap3A_575, %swap3A_576] {strides = array<i32>} : memref<4x128x64xf32, #tpu.memory_space<vmem>>, vector<1x1x16xf32>,
        %swap3A_578 = vector.shape_cast %swap3A_577 : vector<1x1x16xf32> to vector<16xf32>
        %swap3A_579 = vector.shape_cast %mul3A_573 : vector<16xf32> to vector<1x1x16xf32>
        tpu.vector_store %arg6[%swap3A_574, %swap3A_575, %swap3A_576], %swap3A_579 {strides = array<i32>} : memref<4x128x64xf32, #tpu.memory_space<vmem>>, vector<1x1x16xf32>,
        %get3A_580 = arith.index_cast %rem3A_29 : i32 to index
        %get3A_581 = arith.index_cast %add3A_531 : i32 to index
        %get3A_582 = arith.constant 48 : index
        %get3A_583 = tpu.vector_load %arg6[%get3A_580, %get3A_581, %get3A_582] {strides = array<i32>} : memref<4x128x64xf32, #tpu.memory_space<vmem>>, vector<1x1x16xf32>,
        %get3A_584 = vector.shape_cast %get3A_583 : vector<1x1x16xf32> to vector<16xf32>
        %mul3A_585 = arith.mulf %get3A_584, %gather3A_543 : vector<16xf32>
        %swap3A_586 = arith.index_cast %rem3A_29 : i32 to index
        %swap3A_587 = arith.index_cast %add3A_531 : i32 to index
        %swap3A_588 = arith.constant 48 : index
        %swap3A_589 = tpu.vector_load %arg6[%swap3A_586, %swap3A_587, %swap3A_588] {strides = array<i32>} : memref<4x128x64xf32, #tpu.memory_space<vmem>>, vector<1x1x16xf32>,
        %swap3A_590 = vector.shape_cast %swap3A_589 : vector<1x1x16xf32> to vector<16xf32>
        %swap3A_591 = vector.shape_cast %mul3A_585 : vector<16xf32> to vector<1x1x16xf32>
        tpu.vector_store %arg6[%swap3A_586, %swap3A_587, %swap3A_588], %swap3A_591 {strides = array<i32>} : memref<4x128x64xf32, #tpu.memory_space<vmem>>, vector<1x1x16xf32>,
        %mul3A_592 = arith.constant 16 : i32
        %mul3A_593 = arith.muli %scan3A_72, %mul3A_592 : i32
        %add3A_594 = arith.constant 8 : i32
        %add3A_595 = arith.addi %mul3A_593, %add3A_594 : i32
        %broadcast_in_dim3A_596 = arith.constant 8 : i32
        %broadcast_in_dim3A_597 = vector.broadcast %broadcast_in_dim3A_596 : i32 to vector<16xi32>
        %lt3A_598 = arith.constant 0 : i32
        %lt3A_599 = vector.broadcast %lt3A_598 : i32 to vector<16xi32>
        %lt3A_600 = arith.cmpi slt, %broadcast_in_dim3A_597, %lt3A_599 : vector<16xi32>
        %add3A_601 = arith.constant 16 : i32
        %add3A_602 = vector.broadcast %add3A_601 : i32 to vector<16xi32>
        %add3A_603 = arith.addi %broadcast_in_dim3A_597, %add3A_602 : vector<16xi32>
        %select_n3A_604 = arith.select %lt3A_600, %add3A_603, %broadcast_in_dim3A_597 : vector<16xi1>, vector<16xi32>
        %broadcast_in_dim3A_605 = vector.shape_cast %select_n3A_604 : vector<16xi32> to vector<16x1xi32>
        %gather3A_606 = vector.shape_cast %broadcast_in_dim3A_605 : vector<16x1xi32> to vector<16xi32>
        %gather3A_607 = tpu.dynamic_gather %select_n3A[%gather3A_606] in [0] : vector<16xf32>, vector<16xi32> -> vector<16xf32>
        %get3A_608 = arith.index_cast %rem3A_29 : i32 to index
        %get3A_609 = arith.index_cast %add3A_595 : i32 to index
        %get3A_610 = arith.constant 0 : index
        %get3A_611 = tpu.vector_load %arg6[%get3A_608, %get3A_609, %get3A_610] {strides = array<i32>} : memref<4x128x64xf32, #tpu.memory_space<vmem>>, vector<1x1x16xf32>,
        %get3A_612 = vector.shape_cast %get3A_611 : vector<1x1x16xf32> to vector<16xf32>
        %mul3A_613 = arith.mulf %get3A_612, %gather3A_607 : vector<16xf32>
        %swap3A_614 = arith.index_cast %rem3A_29 : i32 to index
        %swap3A_615 = arith.index_cast %add3A_595 : i32 to index
        %swap3A_616 = arith.constant 0 : index
        %swap3A_617 = tpu.vector_load %arg6[%swap3A_614, %swap3A_615, %swap3A_616] {strides = array<i32>} : memref<4x128x64xf32, #tpu.memory_space<vmem>>, vector<1x1x16xf32>,
        %swap3A_618 = vector.shape_cast %swap3A_617 : vector<1x1x16xf32> to vector<16xf32>
        %swap3A_619 = vector.shape_cast %mul3A_613 : vector<16xf32> to vector<1x1x16xf32>
        tpu.vector_store %arg6[%swap3A_614, %swap3A_615, %swap3A_616], %swap3A_619 {strides = array<i32>} : memref<4x128x64xf32, #tpu.memory_space<vmem>>, vector<1x1x16xf32>,
        %get3A_620 = arith.index_cast %rem3A_29 : i32 to index
        %get3A_621 = arith.index_cast %add3A_595 : i32 to index
        %get3A_622 = arith.constant 16 : index
        %get3A_623 = tpu.vector_load %arg6[%get3A_620, %get3A_621, %get3A_622] {strides = array<i32>} : memref<4x128x64xf32, #tpu.memory_space<vmem>>, vector<1x1x16xf32>,
        %get3A_624 = vector.shape_cast %get3A_623 : vector<1x1x16xf32> to vector<16xf32>
        %mul3A_625 = arith.mulf %get3A_624, %gather3A_607 : vector<16xf32>
        %swap3A_626 = arith.index_cast %rem3A_29 : i32 to index
        %swap3A_627 = arith.index_cast %add3A_595 : i32 to index
        %swap3A_628 = arith.constant 16 : index
        %swap3A_629 = tpu.vector_load %arg6[%swap3A_626, %swap3A_627, %swap3A_628] {strides = array<i32>} : memref<4x128x64xf32, #tpu.memory_space<vmem>>, vector<1x1x16xf32>,
        %swap3A_630 = vector.shape_cast %swap3A_629 : vector<1x1x16xf32> to vector<16xf32>
        %swap3A_631 = vector.shape_cast %mul3A_625 : vector<16xf32> to vector<1x1x16xf32>
        tpu.vector_store %arg6[%swap3A_626, %swap3A_627, %swap3A_628], %swap3A_631 {strides = array<i32>} : memref<4x128x64xf32, #tpu.memory_space<vmem>>, vector<1x1x16xf32>,
        %get3A_632 = arith.index_cast %rem3A_29 : i32 to index
        %get3A_633 = arith.index_cast %add3A_595 : i32 to index
        %get3A_634 = arith.constant 32 : index
        %get3A_635 = tpu.vector_load %arg6[%get3A_632, %get3A_633, %get3A_634] {strides = array<i32>} : memref<4x128x64xf32, #tpu.memory_space<vmem>>, vector<1x1x16xf32>,
        %get3A_636 = vector.shape_cast %get3A_635 : vector<1x1x16xf32> to vector<16xf32>
        %mul3A_637 = arith.mulf %get3A_636, %gather3A_607 : vector<16xf32>
        %swap3A_638 = arith.index_cast %rem3A_29 : i32 to index
        %swap3A_639 = arith.index_cast %add3A_595 : i32 to index
        %swap3A_640 = arith.constant 32 : index
        %swap3A_641 = tpu.vector_load %arg6[%swap3A_638, %swap3A_639, %swap3A_640] {strides = array<i32>} : memref<4x128x64xf32, #tpu.memory_space<vmem>>, vector<1x1x16xf32>,
        %swap3A_642 = vector.shape_cast %swap3A_641 : vector<1x1x16xf32> to vector<16xf32>
        %swap3A_643 = vector.shape_cast %mul3A_637 : vector<16xf32> to vector<1x1x16xf32>
        tpu.vector_store %arg6[%swap3A_638, %swap3A_639, %swap3A_640], %swap3A_643 {strides = array<i32>} : memref<4x128x64xf32, #tpu.memory_space<vmem>>, vector<1x1x16xf32>,
        %get3A_644 = arith.index_cast %rem3A_29 : i32 to index
        %get3A_645 = arith.index_cast %add3A_595 : i32 to index
        %get3A_646 = arith.constant 48 : index
        %get3A_647 = tpu.vector_load %arg6[%get3A_644, %get3A_645, %get3A_646] {strides = array<i32>} : memref<4x128x64xf32, #tpu.memory_space<vmem>>, vector<1x1x16xf32>,
        %get3A_648 = vector.shape_cast %get3A_647 : vector<1x1x16xf32> to vector<16xf32>
        %mul3A_649 = arith.mulf %get3A_648, %gather3A_607 : vector<16xf32>
        %swap3A_650 = arith.index_cast %rem3A_29 : i32 to index
        %swap3A_651 = arith.index_cast %add3A_595 : i32 to index
        %swap3A_652 = arith.constant 48 : index
        %swap3A_653 = tpu.vector_load %arg6[%swap3A_650, %swap3A_651, %swap3A_652] {strides = array<i32>} : memref<4x128x64xf32, #tpu.memory_space<vmem>>, vector<1x1x16xf32>,
        %swap3A_654 = vector.shape_cast %swap3A_653 : vector<1x1x16xf32> to vector<16xf32>
        %swap3A_655 = vector.shape_cast %mul3A_649 : vector<16xf32> to vector<1x1x16xf32>
        tpu.vector_store %arg6[%swap3A_650, %swap3A_651, %swap3A_652], %swap3A_655 {strides = array<i32>} : memref<4x128x64xf32, #tpu.memory_space<vmem>>, vector<1x1x16xf32>,
        %mul3A_656 = arith.constant 16 : i32
        %mul3A_657 = arith.muli %scan3A_72, %mul3A_656 : i32
        %add3A_658 = arith.constant 9 : i32
        %add3A_659 = arith.addi %mul3A_657, %add3A_658 : i32
        %broadcast_in_dim3A_660 = arith.constant 9 : i32
        %broadcast_in_dim3A_661 = vector.broadcast %broadcast_in_dim3A_660 : i32 to vector<16xi32>
        %lt3A_662 = arith.constant 0 : i32
        %lt3A_663 = vector.broadcast %lt3A_662 : i32 to vector<16xi32>
        %lt3A_664 = arith.cmpi slt, %broadcast_in_dim3A_661, %lt3A_663 : vector<16xi32>
        %add3A_665 = arith.constant 16 : i32
        %add3A_666 = vector.broadcast %add3A_665 : i32 to vector<16xi32>
        %add3A_667 = arith.addi %broadcast_in_dim3A_661, %add3A_666 : vector<16xi32>
        %select_n3A_668 = arith.select %lt3A_664, %add3A_667, %broadcast_in_dim3A_661 : vector<16xi1>, vector<16xi32>
        %broadcast_in_dim3A_669 = vector.shape_cast %select_n3A_668 : vector<16xi32> to vector<16x1xi32>
        %gather3A_670 = vector.shape_cast %broadcast_in_dim3A_669 : vector<16x1xi32> to vector<16xi32>
        %gather3A_671 = tpu.dynamic_gather %select_n3A[%gather3A_670] in [0] : vector<16xf32>, vector<16xi32> -> vector<16xf32>
        %get3A_672 = arith.index_cast %rem3A_29 : i32 to index
        %get3A_673 = arith.index_cast %add3A_659 : i32 to index
        %get3A_674 = arith.constant 0 : index
        %get3A_675 = tpu.vector_load %arg6[%get3A_672, %get3A_673, %get3A_674] {strides = array<i32>} : memref<4x128x64xf32, #tpu.memory_space<vmem>>, vector<1x1x16xf32>,
        %get3A_676 = vector.shape_cast %get3A_675 : vector<1x1x16xf32> to vector<16xf32>
        %mul3A_677 = arith.mulf %get3A_676, %gather3A_671 : vector<16xf32>
        %swap3A_678 = arith.index_cast %rem3A_29 : i32 to index
        %swap3A_679 = arith.index_cast %add3A_659 : i32 to index
        %swap3A_680 = arith.constant 0 : index
        %swap3A_681 = tpu.vector_load %arg6[%swap3A_678, %swap3A_679, %swap3A_680] {strides = array<i32>} : memref<4x128x64xf32, #tpu.memory_space<vmem>>, vector<1x1x16xf32>,
        %swap3A_682 = vector.shape_cast %swap3A_681 : vector<1x1x16xf32> to vector<16xf32>
        %swap3A_683 = vector.shape_cast %mul3A_677 : vector<16xf32> to vector<1x1x16xf32>
        tpu.vector_store %arg6[%swap3A_678, %swap3A_679, %swap3A_680], %swap3A_683 {strides = array<i32>} : memref<4x128x64xf32, #tpu.memory_space<vmem>>, vector<1x1x16xf32>,
        %get3A_684 = arith.index_cast %rem3A_29 : i32 to index
        %get3A_685 = arith.index_cast %add3A_659 : i32 to index
        %get3A_686 = arith.constant 16 : index
        %get3A_687 = tpu.vector_load %arg6[%get3A_684, %get3A_685, %get3A_686] {strides = array<i32>} : memref<4x128x64xf32, #tpu.memory_space<vmem>>, vector<1x1x16xf32>,
        %get3A_688 = vector.shape_cast %get3A_687 : vector<1x1x16xf32> to vector<16xf32>
        %mul3A_689 = arith.mulf %get3A_688, %gather3A_671 : vector<16xf32>
        %swap3A_690 = arith.index_cast %rem3A_29 : i32 to index
        %swap3A_691 = arith.index_cast %add3A_659 : i32 to index
        %swap3A_692 = arith.constant 16 : index
        %swap3A_693 = tpu.vector_load %arg6[%swap3A_690, %swap3A_691, %swap3A_692] {strides = array<i32>} : memref<4x128x64xf32, #tpu.memory_space<vmem>>, vector<1x1x16xf32>,
        %swap3A_694 = vector.shape_cast %swap3A_693 : vector<1x1x16xf32> to vector<16xf32>
        %swap3A_695 = vector.shape_cast %mul3A_689 : vector<16xf32> to vector<1x1x16xf32>
        tpu.vector_store %arg6[%swap3A_690, %swap3A_691, %swap3A_692], %swap3A_695 {strides = array<i32>} : memref<4x128x64xf32, #tpu.memory_space<vmem>>, vector<1x1x16xf32>,
        %get3A_696 = arith.index_cast %rem3A_29 : i32 to index
        %get3A_697 = arith.index_cast %add3A_659 : i32 to index
        %get3A_698 = arith.constant 32 : index
        %get3A_699 = tpu.vector_load %arg6[%get3A_696, %get3A_697, %get3A_698] {strides = array<i32>} : memref<4x128x64xf32, #tpu.memory_space<vmem>>, vector<1x1x16xf32>,
        %get3A_700 = vector.shape_cast %get3A_699 : vector<1x1x16xf32> to vector<16xf32>
        %mul3A_701 = arith.mulf %get3A_700, %gather3A_671 : vector<16xf32>
        %swap3A_702 = arith.index_cast %rem3A_29 : i32 to index
        %swap3A_703 = arith.index_cast %add3A_659 : i32 to index
        %swap3A_704 = arith.constant 32 : index
        %swap3A_705 = tpu.vector_load %arg6[%swap3A_702, %swap3A_703, %swap3A_704] {strides = array<i32>} : memref<4x128x64xf32, #tpu.memory_space<vmem>>, vector<1x1x16xf32>,
        %swap3A_706 = vector.shape_cast %swap3A_705 : vector<1x1x16xf32> to vector<16xf32>
        %swap3A_707 = vector.shape_cast %mul3A_701 : vector<16xf32> to vector<1x1x16xf32>
        tpu.vector_store %arg6[%swap3A_702, %swap3A_703, %swap3A_704], %swap3A_707 {strides = array<i32>} : memref<4x128x64xf32, #tpu.memory_space<vmem>>, vector<1x1x16xf32>,
        %get3A_708 = arith.index_cast %rem3A_29 : i32 to index
        %get3A_709 = arith.index_cast %add3A_659 : i32 to index
        %get3A_710 = arith.constant 48 : index
        %get3A_711 = tpu.vector_load %arg6[%get3A_708, %get3A_709, %get3A_710] {strides = array<i32>} : memref<4x128x64xf32, #tpu.memory_space<vmem>>, vector<1x1x16xf32>,
        %get3A_712 = vector.shape_cast %get3A_711 : vector<1x1x16xf32> to vector<16xf32>
        %mul3A_713 = arith.mulf %get3A_712, %gather3A_671 : vector<16xf32>
        %swap3A_714 = arith.index_cast %rem3A_29 : i32 to index
        %swap3A_715 = arith.index_cast %add3A_659 : i32 to index
        %swap3A_716 = arith.constant 48 : index
        %swap3A_717 = tpu.vector_load %arg6[%swap3A_714, %swap3A_715, %swap3A_716] {strides = array<i32>} : memref<4x128x64xf32, #tpu.memory_space<vmem>>, vector<1x1x16xf32>,
        %swap3A_718 = vector.shape_cast %swap3A_717 : vector<1x1x16xf32> to vector<16xf32>
        %swap3A_719 = vector.shape_cast %mul3A_713 : vector<16xf32> to vector<1x1x16xf32>
        tpu.vector_store %arg6[%swap3A_714, %swap3A_715, %swap3A_716], %swap3A_719 {strides = array<i32>} : memref<4x128x64xf32, #tpu.memory_space<vmem>>, vector<1x1x16xf32>,
        %mul3A_720 = arith.constant 16 : i32
        %mul3A_721 = arith.muli %scan3A_72, %mul3A_720 : i32
        %add3A_722 = arith.constant 10 : i32
        %add3A_723 = arith.addi %mul3A_721, %add3A_722 : i32
        %broadcast_in_dim3A_724 = arith.constant 10 : i32
        %broadcast_in_dim3A_725 = vector.broadcast %broadcast_in_dim3A_724 : i32 to vector<16xi32>
        %lt3A_726 = arith.constant 0 : i32
        %lt3A_727 = vector.broadcast %lt3A_726 : i32 to vector<16xi32>
        %lt3A_728 = arith.cmpi slt, %broadcast_in_dim3A_725, %lt3A_727 : vector<16xi32>
        %add3A_729 = arith.constant 16 : i32
        %add3A_730 = vector.broadcast %add3A_729 : i32 to vector<16xi32>
        %add3A_731 = arith.addi %broadcast_in_dim3A_725, %add3A_730 : vector<16xi32>
        %select_n3A_732 = arith.select %lt3A_728, %add3A_731, %broadcast_in_dim3A_725 : vector<16xi1>, vector<16xi32>
        %broadcast_in_dim3A_733 = vector.shape_cast %select_n3A_732 : vector<16xi32> to vector<16x1xi32>
        %gather3A_734 = vector.shape_cast %broadcast_in_dim3A_733 : vector<16x1xi32> to vector<16xi32>
        %gather3A_735 = tpu.dynamic_gather %select_n3A[%gather3A_734] in [0] : vector<16xf32>, vector<16xi32> -> vector<16xf32>
        %get3A_736 = arith.index_cast %rem3A_29 : i32 to index
        %get3A_737 = arith.index_cast %add3A_723 : i32 to index
        %get3A_738 = arith.constant 0 : index
        %get3A_739 = tpu.vector_load %arg6[%get3A_736, %get3A_737, %get3A_738] {strides = array<i32>} : memref<4x128x64xf32, #tpu.memory_space<vmem>>, vector<1x1x16xf32>,
        %get3A_740 = vector.shape_cast %get3A_739 : vector<1x1x16xf32> to vector<16xf32>
        %mul3A_741 = arith.mulf %get3A_740, %gather3A_735 : vector<16xf32>
        %swap3A_742 = arith.index_cast %rem3A_29 : i32 to index
        %swap3A_743 = arith.index_cast %add3A_723 : i32 to index
        %swap3A_744 = arith.constant 0 : index
        %swap3A_745 = tpu.vector_load %arg6[%swap3A_742, %swap3A_743, %swap3A_744] {strides = array<i32>} : memref<4x128x64xf32, #tpu.memory_space<vmem>>, vector<1x1x16xf32>,
        %swap3A_746 = vector.shape_cast %swap3A_745 : vector<1x1x16xf32> to vector<16xf32>
        %swap3A_747 = vector.shape_cast %mul3A_741 : vector<16xf32> to vector<1x1x16xf32>
        tpu.vector_store %arg6[%swap3A_742, %swap3A_743, %swap3A_744], %swap3A_747 {strides = array<i32>} : memref<4x128x64xf32, #tpu.memory_space<vmem>>, vector<1x1x16xf32>,
        %get3A_748 = arith.index_cast %rem3A_29 : i32 to index
        %get3A_749 = arith.index_cast %add3A_723 : i32 to index
        %get3A_750 = arith.constant 16 : index
        %get3A_751 = tpu.vector_load %arg6[%get3A_748, %get3A_749, %get3A_750] {strides = array<i32>} : memref<4x128x64xf32, #tpu.memory_space<vmem>>, vector<1x1x16xf32>,
        %get3A_752 = vector.shape_cast %get3A_751 : vector<1x1x16xf32> to vector<16xf32>
        %mul3A_753 = arith.mulf %get3A_752, %gather3A_735 : vector<16xf32>
        %swap3A_754 = arith.index_cast %rem3A_29 : i32 to index
        %swap3A_755 = arith.index_cast %add3A_723 : i32 to index
        %swap3A_756 = arith.constant 16 : index
        %swap3A_757 = tpu.vector_load %arg6[%swap3A_754, %swap3A_755, %swap3A_756] {strides = array<i32>} : memref<4x128x64xf32, #tpu.memory_space<vmem>>, vector<1x1x16xf32>,
        %swap3A_758 = vector.shape_cast %swap3A_757 : vector<1x1x16xf32> to vector<16xf32>
        %swap3A_759 = vector.shape_cast %mul3A_753 : vector<16xf32> to vector<1x1x16xf32>
        tpu.vector_store %arg6[%swap3A_754, %swap3A_755, %swap3A_756], %swap3A_759 {strides = array<i32>} : memref<4x128x64xf32, #tpu.memory_space<vmem>>, vector<1x1x16xf32>,
        %get3A_760 = arith.index_cast %rem3A_29 : i32 to index
        %get3A_761 = arith.index_cast %add3A_723 : i32 to index
        %get3A_762 = arith.constant 32 : index
        %get3A_763 = tpu.vector_load %arg6[%get3A_760, %get3A_761, %get3A_762] {strides = array<i32>} : memref<4x128x64xf32, #tpu.memory_space<vmem>>, vector<1x1x16xf32>,
        %get3A_764 = vector.shape_cast %get3A_763 : vector<1x1x16xf32> to vector<16xf32>
        %mul3A_765 = arith.mulf %get3A_764, %gather3A_735 : vector<16xf32>
        %swap3A_766 = arith.index_cast %rem3A_29 : i32 to index
        %swap3A_767 = arith.index_cast %add3A_723 : i32 to index
        %swap3A_768 = arith.constant 32 : index
        %swap3A_769 = tpu.vector_load %arg6[%swap3A_766, %swap3A_767, %swap3A_768] {strides = array<i32>} : memref<4x128x64xf32, #tpu.memory_space<vmem>>, vector<1x1x16xf32>,
        %swap3A_770 = vector.shape_cast %swap3A_769 : vector<1x1x16xf32> to vector<16xf32>
        %swap3A_771 = vector.shape_cast %mul3A_765 : vector<16xf32> to vector<1x1x16xf32>
        tpu.vector_store %arg6[%swap3A_766, %swap3A_767, %swap3A_768], %swap3A_771 {strides = array<i32>} : memref<4x128x64xf32, #tpu.memory_space<vmem>>, vector<1x1x16xf32>,
        %get3A_772 = arith.index_cast %rem3A_29 : i32 to index
        %get3A_773 = arith.index_cast %add3A_723 : i32 to index
        %get3A_774 = arith.constant 48 : index
        %get3A_775 = tpu.vector_load %arg6[%get3A_772, %get3A_773, %get3A_774] {strides = array<i32>} : memref<4x128x64xf32, #tpu.memory_space<vmem>>, vector<1x1x16xf32>,
        %get3A_776 = vector.shape_cast %get3A_775 : vector<1x1x16xf32> to vector<16xf32>
        %mul3A_777 = arith.mulf %get3A_776, %gather3A_735 : vector<16xf32>
        %swap3A_778 = arith.index_cast %rem3A_29 : i32 to index
        %swap3A_779 = arith.index_cast %add3A_723 : i32 to index
        %swap3A_780 = arith.constant 48 : index
        %swap3A_781 = tpu.vector_load %arg6[%swap3A_778, %swap3A_779, %swap3A_780] {strides = array<i32>} : memref<4x128x64xf32, #tpu.memory_space<vmem>>, vector<1x1x16xf32>,
        %swap3A_782 = vector.shape_cast %swap3A_781 : vector<1x1x16xf32> to vector<16xf32>
        %swap3A_783 = vector.shape_cast %mul3A_777 : vector<16xf32> to vector<1x1x16xf32>
        tpu.vector_store %arg6[%swap3A_778, %swap3A_779, %swap3A_780], %swap3A_783 {strides = array<i32>} : memref<4x128x64xf32, #tpu.memory_space<vmem>>, vector<1x1x16xf32>,
        %mul3A_784 = arith.constant 16 : i32
        %mul3A_785 = arith.muli %scan3A_72, %mul3A_784 : i32
        %add3A_786 = arith.constant 11 : i32
        %add3A_787 = arith.addi %mul3A_785, %add3A_786 : i32
        %broadcast_in_dim3A_788 = arith.constant 11 : i32
        %broadcast_in_dim3A_789 = vector.broadcast %broadcast_in_dim3A_788 : i32 to vector<16xi32>
        %lt3A_790 = arith.constant 0 : i32
        %lt3A_791 = vector.broadcast %lt3A_790 : i32 to vector<16xi32>
        %lt3A_792 = arith.cmpi slt, %broadcast_in_dim3A_789, %lt3A_791 : vector<16xi32>
        %add3A_793 = arith.constant 16 : i32
        %add3A_794 = vector.broadcast %add3A_793 : i32 to vector<16xi32>
        %add3A_795 = arith.addi %broadcast_in_dim3A_789, %add3A_794 : vector<16xi32>
        %select_n3A_796 = arith.select %lt3A_792, %add3A_795, %broadcast_in_dim3A_789 : vector<16xi1>, vector<16xi32>
        %broadcast_in_dim3A_797 = vector.shape_cast %select_n3A_796 : vector<16xi32> to vector<16x1xi32>
        %gather3A_798 = vector.shape_cast %broadcast_in_dim3A_797 : vector<16x1xi32> to vector<16xi32>
        %gather3A_799 = tpu.dynamic_gather %select_n3A[%gather3A_798] in [0] : vector<16xf32>, vector<16xi32> -> vector<16xf32>
        %get3A_800 = arith.index_cast %rem3A_29 : i32 to index
        %get3A_801 = arith.index_cast %add3A_787 : i32 to index
        %get3A_802 = arith.constant 0 : index
        %get3A_803 = tpu.vector_load %arg6[%get3A_800, %get3A_801, %get3A_802] {strides = array<i32>} : memref<4x128x64xf32, #tpu.memory_space<vmem>>, vector<1x1x16xf32>,
        %get3A_804 = vector.shape_cast %get3A_803 : vector<1x1x16xf32> to vector<16xf32>
        %mul3A_805 = arith.mulf %get3A_804, %gather3A_799 : vector<16xf32>
        %swap3A_806 = arith.index_cast %rem3A_29 : i32 to index
        %swap3A_807 = arith.index_cast %add3A_787 : i32 to index
        %swap3A_808 = arith.constant 0 : index
        %swap3A_809 = tpu.vector_load %arg6[%swap3A_806, %swap3A_807, %swap3A_808] {strides = array<i32>} : memref<4x128x64xf32, #tpu.memory_space<vmem>>, vector<1x1x16xf32>,
        %swap3A_810 = vector.shape_cast %swap3A_809 : vector<1x1x16xf32> to vector<16xf32>
        %swap3A_811 = vector.shape_cast %mul3A_805 : vector<16xf32> to vector<1x1x16xf32>
        tpu.vector_store %arg6[%swap3A_806, %swap3A_807, %swap3A_808], %swap3A_811 {strides = array<i32>} : memref<4x128x64xf32, #tpu.memory_space<vmem>>, vector<1x1x16xf32>,
        %get3A_812 = arith.index_cast %rem3A_29 : i32 to index
        %get3A_813 = arith.index_cast %add3A_787 : i32 to index
        %get3A_814 = arith.constant 16 : index
        %get3A_815 = tpu.vector_load %arg6[%get3A_812, %get3A_813, %get3A_814] {strides = array<i32>} : memref<4x128x64xf32, #tpu.memory_space<vmem>>, vector<1x1x16xf32>,
        %get3A_816 = vector.shape_cast %get3A_815 : vector<1x1x16xf32> to vector<16xf32>
        %mul3A_817 = arith.mulf %get3A_816, %gather3A_799 : vector<16xf32>
        %swap3A_818 = arith.index_cast %rem3A_29 : i32 to index
        %swap3A_819 = arith.index_cast %add3A_787 : i32 to index
        %swap3A_820 = arith.constant 16 : index
        %swap3A_821 = tpu.vector_load %arg6[%swap3A_818, %swap3A_819, %swap3A_820] {strides = array<i32>} : memref<4x128x64xf32, #tpu.memory_space<vmem>>, vector<1x1x16xf32>,
        %swap3A_822 = vector.shape_cast %swap3A_821 : vector<1x1x16xf32> to vector<16xf32>
        %swap3A_823 = vector.shape_cast %mul3A_817 : vector<16xf32> to vector<1x1x16xf32>
        tpu.vector_store %arg6[%swap3A_818, %swap3A_819, %swap3A_820], %swap3A_823 {strides = array<i32>} : memref<4x128x64xf32, #tpu.memory_space<vmem>>, vector<1x1x16xf32>,
        %get3A_824 = arith.index_cast %rem3A_29 : i32 to index
        %get3A_825 = arith.index_cast %add3A_787 : i32 to index
        %get3A_826 = arith.constant 32 : index
        %get3A_827 = tpu.vector_load %arg6[%get3A_824, %get3A_825, %get3A_826] {strides = array<i32>} : memref<4x128x64xf32, #tpu.memory_space<vmem>>, vector<1x1x16xf32>,
        %get3A_828 = vector.shape_cast %get3A_827 : vector<1x1x16xf32> to vector<16xf32>
        %mul3A_829 = arith.mulf %get3A_828, %gather3A_799 : vector<16xf32>
        %swap3A_830 = arith.index_cast %rem3A_29 : i32 to index
        %swap3A_831 = arith.index_cast %add3A_787 : i32 to index
        %swap3A_832 = arith.constant 32 : index
        %swap3A_833 = tpu.vector_load %arg6[%swap3A_830, %swap3A_831, %swap3A_832] {strides = array<i32>} : memref<4x128x64xf32, #tpu.memory_space<vmem>>, vector<1x1x16xf32>,
        %swap3A_834 = vector.shape_cast %swap3A_833 : vector<1x1x16xf32> to vector<16xf32>
        %swap3A_835 = vector.shape_cast %mul3A_829 : vector<16xf32> to vector<1x1x16xf32>
        tpu.vector_store %arg6[%swap3A_830, %swap3A_831, %swap3A_832], %swap3A_835 {strides = array<i32>} : memref<4x128x64xf32, #tpu.memory_space<vmem>>, vector<1x1x16xf32>,
        %get3A_836 = arith.index_cast %rem3A_29 : i32 to index
        %get3A_837 = arith.index_cast %add3A_787 : i32 to index
        %get3A_838 = arith.constant 48 : index
        %get3A_839 = tpu.vector_load %arg6[%get3A_836, %get3A_837, %get3A_838] {strides = array<i32>} : memref<4x128x64xf32, #tpu.memory_space<vmem>>, vector<1x1x16xf32>,
        %get3A_840 = vector.shape_cast %get3A_839 : vector<1x1x16xf32> to vector<16xf32>
        %mul3A_841 = arith.mulf %get3A_840, %gather3A_799 : vector<16xf32>
        %swap3A_842 = arith.index_cast %rem3A_29 : i32 to index
        %swap3A_843 = arith.index_cast %add3A_787 : i32 to index
        %swap3A_844 = arith.constant 48 : index
        %swap3A_845 = tpu.vector_load %arg6[%swap3A_842, %swap3A_843, %swap3A_844] {strides = array<i32>} : memref<4x128x64xf32, #tpu.memory_space<vmem>>, vector<1x1x16xf32>,
        %swap3A_846 = vector.shape_cast %swap3A_845 : vector<1x1x16xf32> to vector<16xf32>
        %swap3A_847 = vector.shape_cast %mul3A_841 : vector<16xf32> to vector<1x1x16xf32>
        tpu.vector_store %arg6[%swap3A_842, %swap3A_843, %swap3A_844], %swap3A_847 {strides = array<i32>} : memref<4x128x64xf32, #tpu.memory_space<vmem>>, vector<1x1x16xf32>,
        %mul3A_848 = arith.constant 16 : i32
        %mul3A_849 = arith.muli %scan3A_72, %mul3A_848 : i32
        %add3A_850 = arith.constant 12 : i32
        %add3A_851 = arith.addi %mul3A_849, %add3A_850 : i32
        %broadcast_in_dim3A_852 = arith.constant 12 : i32
        %broadcast_in_dim3A_853 = vector.broadcast %broadcast_in_dim3A_852 : i32 to vector<16xi32>
        %lt3A_854 = arith.constant 0 : i32
        %lt3A_855 = vector.broadcast %lt3A_854 : i32 to vector<16xi32>
        %lt3A_856 = arith.cmpi slt, %broadcast_in_dim3A_853, %lt3A_855 : vector<16xi32>
        %add3A_857 = arith.constant 16 : i32
        %add3A_858 = vector.broadcast %add3A_857 : i32 to vector<16xi32>
        %add3A_859 = arith.addi %broadcast_in_dim3A_853, %add3A_858 : vector<16xi32>
        %select_n3A_860 = arith.select %lt3A_856, %add3A_859, %broadcast_in_dim3A_853 : vector<16xi1>, vector<16xi32>
        %broadcast_in_dim3A_861 = vector.shape_cast %select_n3A_860 : vector<16xi32> to vector<16x1xi32>
        %gather3A_862 = vector.shape_cast %broadcast_in_dim3A_861 : vector<16x1xi32> to vector<16xi32>
        %gather3A_863 = tpu.dynamic_gather %select_n3A[%gather3A_862] in [0] : vector<16xf32>, vector<16xi32> -> vector<16xf32>
        %get3A_864 = arith.index_cast %rem3A_29 : i32 to index
        %get3A_865 = arith.index_cast %add3A_851 : i32 to index
        %get3A_866 = arith.constant 0 : index
        %get3A_867 = tpu.vector_load %arg6[%get3A_864, %get3A_865, %get3A_866] {strides = array<i32>} : memref<4x128x64xf32, #tpu.memory_space<vmem>>, vector<1x1x16xf32>,
        %get3A_868 = vector.shape_cast %get3A_867 : vector<1x1x16xf32> to vector<16xf32>
        %mul3A_869 = arith.mulf %get3A_868, %gather3A_863 : vector<16xf32>
        %swap3A_870 = arith.index_cast %rem3A_29 : i32 to index
        %swap3A_871 = arith.index_cast %add3A_851 : i32 to index
        %swap3A_872 = arith.constant 0 : index
        %swap3A_873 = tpu.vector_load %arg6[%swap3A_870, %swap3A_871, %swap3A_872] {strides = array<i32>} : memref<4x128x64xf32, #tpu.memory_space<vmem>>, vector<1x1x16xf32>,
        %swap3A_874 = vector.shape_cast %swap3A_873 : vector<1x1x16xf32> to vector<16xf32>
        %swap3A_875 = vector.shape_cast %mul3A_869 : vector<16xf32> to vector<1x1x16xf32>
        tpu.vector_store %arg6[%swap3A_870, %swap3A_871, %swap3A_872], %swap3A_875 {strides = array<i32>} : memref<4x128x64xf32, #tpu.memory_space<vmem>>, vector<1x1x16xf32>,
        %get3A_876 = arith.index_cast %rem3A_29 : i32 to index
        %get3A_877 = arith.index_cast %add3A_851 : i32 to index
        %get3A_878 = arith.constant 16 : index
        %get3A_879 = tpu.vector_load %arg6[%get3A_876, %get3A_877, %get3A_878] {strides = array<i32>} : memref<4x128x64xf32, #tpu.memory_space<vmem>>, vector<1x1x16xf32>,
        %get3A_880 = vector.shape_cast %get3A_879 : vector<1x1x16xf32> to vector<16xf32>
        %mul3A_881 = arith.mulf %get3A_880, %gather3A_863 : vector<16xf32>
        %swap3A_882 = arith.index_cast %rem3A_29 : i32 to index
        %swap3A_883 = arith.index_cast %add3A_851 : i32 to index
        %swap3A_884 = arith.constant 16 : index
        %swap3A_885 = tpu.vector_load %arg6[%swap3A_882, %swap3A_883, %swap3A_884] {strides = array<i32>} : memref<4x128x64xf32, #tpu.memory_space<vmem>>, vector<1x1x16xf32>,
        %swap3A_886 = vector.shape_cast %swap3A_885 : vector<1x1x16xf32> to vector<16xf32>
        %swap3A_887 = vector.shape_cast %mul3A_881 : vector<16xf32> to vector<1x1x16xf32>
        tpu.vector_store %arg6[%swap3A_882, %swap3A_883, %swap3A_884], %swap3A_887 {strides = array<i32>} : memref<4x128x64xf32, #tpu.memory_space<vmem>>, vector<1x1x16xf32>,
        %get3A_888 = arith.index_cast %rem3A_29 : i32 to index
        %get3A_889 = arith.index_cast %add3A_851 : i32 to index
        %get3A_890 = arith.constant 32 : index
        %get3A_891 = tpu.vector_load %arg6[%get3A_888, %get3A_889, %get3A_890] {strides = array<i32>} : memref<4x128x64xf32, #tpu.memory_space<vmem>>, vector<1x1x16xf32>,
        %get3A_892 = vector.shape_cast %get3A_891 : vector<1x1x16xf32> to vector<16xf32>
        %mul3A_893 = arith.mulf %get3A_892, %gather3A_863 : vector<16xf32>
        %swap3A_894 = arith.index_cast %rem3A_29 : i32 to index
        %swap3A_895 = arith.index_cast %add3A_851 : i32 to index
        %swap3A_896 = arith.constant 32 : index
        %swap3A_897 = tpu.vector_load %arg6[%swap3A_894, %swap3A_895, %swap3A_896] {strides = array<i32>} : memref<4x128x64xf32, #tpu.memory_space<vmem>>, vector<1x1x16xf32>,
        %swap3A_898 = vector.shape_cast %swap3A_897 : vector<1x1x16xf32> to vector<16xf32>
        %swap3A_899 = vector.shape_cast %mul3A_893 : vector<16xf32> to vector<1x1x16xf32>
        tpu.vector_store %arg6[%swap3A_894, %swap3A_895, %swap3A_896], %swap3A_899 {strides = array<i32>} : memref<4x128x64xf32, #tpu.memory_space<vmem>>, vector<1x1x16xf32>,
        %get3A_900 = arith.index_cast %rem3A_29 : i32 to index
        %get3A_901 = arith.index_cast %add3A_851 : i32 to index
        %get3A_902 = arith.constant 48 : index
        %get3A_903 = tpu.vector_load %arg6[%get3A_900, %get3A_901, %get3A_902] {strides = array<i32>} : memref<4x128x64xf32, #tpu.memory_space<vmem>>, vector<1x1x16xf32>,
        %get3A_904 = vector.shape_cast %get3A_903 : vector<1x1x16xf32> to vector<16xf32>
        %mul3A_905 = arith.mulf %get3A_904, %gather3A_863 : vector<16xf32>
        %swap3A_906 = arith.index_cast %rem3A_29 : i32 to index
        %swap3A_907 = arith.index_cast %add3A_851 : i32 to index
        %swap3A_908 = arith.constant 48 : index
        %swap3A_909 = tpu.vector_load %arg6[%swap3A_906, %swap3A_907, %swap3A_908] {strides = array<i32>} : memref<4x128x64xf32, #tpu.memory_space<vmem>>, vector<1x1x16xf32>,
        %swap3A_910 = vector.shape_cast %swap3A_909 : vector<1x1x16xf32> to vector<16xf32>
        %swap3A_911 = vector.shape_cast %mul3A_905 : vector<16xf32> to vector<1x1x16xf32>
        tpu.vector_store %arg6[%swap3A_906, %swap3A_907, %swap3A_908], %swap3A_911 {strides = array<i32>} : memref<4x128x64xf32, #tpu.memory_space<vmem>>, vector<1x1x16xf32>,
        %mul3A_912 = arith.constant 16 : i32
        %mul3A_913 = arith.muli %scan3A_72, %mul3A_912 : i32
        %add3A_914 = arith.constant 13 : i32
        %add3A_915 = arith.addi %mul3A_913, %add3A_914 : i32
        %broadcast_in_dim3A_916 = arith.constant 13 : i32
        %broadcast_in_dim3A_917 = vector.broadcast %broadcast_in_dim3A_916 : i32 to vector<16xi32>
        %lt3A_918 = arith.constant 0 : i32
        %lt3A_919 = vector.broadcast %lt3A_918 : i32 to vector<16xi32>
        %lt3A_920 = arith.cmpi slt, %broadcast_in_dim3A_917, %lt3A_919 : vector<16xi32>
        %add3A_921 = arith.constant 16 : i32
        %add3A_922 = vector.broadcast %add3A_921 : i32 to vector<16xi32>
        %add3A_923 = arith.addi %broadcast_in_dim3A_917, %add3A_922 : vector<16xi32>
        %select_n3A_924 = arith.select %lt3A_920, %add3A_923, %broadcast_in_dim3A_917 : vector<16xi1>, vector<16xi32>
        %broadcast_in_dim3A_925 = vector.shape_cast %select_n3A_924 : vector<16xi32> to vector<16x1xi32>
        %gather3A_926 = vector.shape_cast %broadcast_in_dim3A_925 : vector<16x1xi32> to vector<16xi32>
        %gather3A_927 = tpu.dynamic_gather %select_n3A[%gather3A_926] in [0] : vector<16xf32>, vector<16xi32> -> vector<16xf32>
        %get3A_928 = arith.index_cast %rem3A_29 : i32 to index
        %get3A_929 = arith.index_cast %add3A_915 : i32 to index
        %get3A_930 = arith.constant 0 : index
        %get3A_931 = tpu.vector_load %arg6[%get3A_928, %get3A_929, %get3A_930] {strides = array<i32>} : memref<4x128x64xf32, #tpu.memory_space<vmem>>, vector<1x1x16xf32>,
        %get3A_932 = vector.shape_cast %get3A_931 : vector<1x1x16xf32> to vector<16xf32>
        %mul3A_933 = arith.mulf %get3A_932, %gather3A_927 : vector<16xf32>
        %swap3A_934 = arith.index_cast %rem3A_29 : i32 to index
        %swap3A_935 = arith.index_cast %add3A_915 : i32 to index
        %swap3A_936 = arith.constant 0 : index
        %swap3A_937 = tpu.vector_load %arg6[%swap3A_934, %swap3A_935, %swap3A_936] {strides = array<i32>} : memref<4x128x64xf32, #tpu.memory_space<vmem>>, vector<1x1x16xf32>,
        %swap3A_938 = vector.shape_cast %swap3A_937 : vector<1x1x16xf32> to vector<16xf32>
        %swap3A_939 = vector.shape_cast %mul3A_933 : vector<16xf32> to vector<1x1x16xf32>
        tpu.vector_store %arg6[%swap3A_934, %swap3A_935, %swap3A_936], %swap3A_939 {strides = array<i32>} : memref<4x128x64xf32, #tpu.memory_space<vmem>>, vector<1x1x16xf32>,
        %get3A_940 = arith.index_cast %rem3A_29 : i32 to index
        %get3A_941 = arith.index_cast %add3A_915 : i32 to index
        %get3A_942 = arith.constant 16 : index
        %get3A_943 = tpu.vector_load %arg6[%get3A_940, %get3A_941, %get3A_942] {strides = array<i32>} : memref<4x128x64xf32, #tpu.memory_space<vmem>>, vector<1x1x16xf32>,
        %get3A_944 = vector.shape_cast %get3A_943 : vector<1x1x16xf32> to vector<16xf32>
        %mul3A_945 = arith.mulf %get3A_944, %gather3A_927 : vector<16xf32>
        %swap3A_946 = arith.index_cast %rem3A_29 : i32 to index
        %swap3A_947 = arith.index_cast %add3A_915 : i32 to index
        %swap3A_948 = arith.constant 16 : index
        %swap3A_949 = tpu.vector_load %arg6[%swap3A_946, %swap3A_947, %swap3A_948] {strides = array<i32>} : memref<4x128x64xf32, #tpu.memory_space<vmem>>, vector<1x1x16xf32>,
        %swap3A_950 = vector.shape_cast %swap3A_949 : vector<1x1x16xf32> to vector<16xf32>
        %swap3A_951 = vector.shape_cast %mul3A_945 : vector<16xf32> to vector<1x1x16xf32>
        tpu.vector_store %arg6[%swap3A_946, %swap3A_947, %swap3A_948], %swap3A_951 {strides = array<i32>} : memref<4x128x64xf32, #tpu.memory_space<vmem>>, vector<1x1x16xf32>,
        %get3A_952 = arith.index_cast %rem3A_29 : i32 to index
        %get3A_953 = arith.index_cast %add3A_915 : i32 to index
        %get3A_954 = arith.constant 32 : index
        %get3A_955 = tpu.vector_load %arg6[%get3A_952, %get3A_953, %get3A_954] {strides = array<i32>} : memref<4x128x64xf32, #tpu.memory_space<vmem>>, vector<1x1x16xf32>,
        %get3A_956 = vector.shape_cast %get3A_955 : vector<1x1x16xf32> to vector<16xf32>
        %mul3A_957 = arith.mulf %get3A_956, %gather3A_927 : vector<16xf32>
        %swap3A_958 = arith.index_cast %rem3A_29 : i32 to index
        %swap3A_959 = arith.index_cast %add3A_915 : i32 to index
        %swap3A_960 = arith.constant 32 : index
        %swap3A_961 = tpu.vector_load %arg6[%swap3A_958, %swap3A_959, %swap3A_960] {strides = array<i32>} : memref<4x128x64xf32, #tpu.memory_space<vmem>>, vector<1x1x16xf32>,
        %swap3A_962 = vector.shape_cast %swap3A_961 : vector<1x1x16xf32> to vector<16xf32>
        %swap3A_963 = vector.shape_cast %mul3A_957 : vector<16xf32> to vector<1x1x16xf32>
        tpu.vector_store %arg6[%swap3A_958, %swap3A_959, %swap3A_960], %swap3A_963 {strides = array<i32>} : memref<4x128x64xf32, #tpu.memory_space<vmem>>, vector<1x1x16xf32>,
        %get3A_964 = arith.index_cast %rem3A_29 : i32 to index
        %get3A_965 = arith.index_cast %add3A_915 : i32 to index
        %get3A_966 = arith.constant 48 : index
        %get3A_967 = tpu.vector_load %arg6[%get3A_964, %get3A_965, %get3A_966] {strides = array<i32>} : memref<4x128x64xf32, #tpu.memory_space<vmem>>, vector<1x1x16xf32>,
        %get3A_968 = vector.shape_cast %get3A_967 : vector<1x1x16xf32> to vector<16xf32>
        %mul3A_969 = arith.mulf %get3A_968, %gather3A_927 : vector<16xf32>
        %swap3A_970 = arith.index_cast %rem3A_29 : i32 to index
        %swap3A_971 = arith.index_cast %add3A_915 : i32 to index
        %swap3A_972 = arith.constant 48 : index
        %swap3A_973 = tpu.vector_load %arg6[%swap3A_970, %swap3A_971, %swap3A_972] {strides = array<i32>} : memref<4x128x64xf32, #tpu.memory_space<vmem>>, vector<1x1x16xf32>,
        %swap3A_974 = vector.shape_cast %swap3A_973 : vector<1x1x16xf32> to vector<16xf32>
        %swap3A_975 = vector.shape_cast %mul3A_969 : vector<16xf32> to vector<1x1x16xf32>
        tpu.vector_store %arg6[%swap3A_970, %swap3A_971, %swap3A_972], %swap3A_975 {strides = array<i32>} : memref<4x128x64xf32, #tpu.memory_space<vmem>>, vector<1x1x16xf32>,
        %mul3A_976 = arith.constant 16 : i32
        %mul3A_977 = arith.muli %scan3A_72, %mul3A_976 : i32
        %add3A_978 = arith.constant 14 : i32
        %add3A_979 = arith.addi %mul3A_977, %add3A_978 : i32
        %broadcast_in_dim3A_980 = arith.constant 14 : i32
        %broadcast_in_dim3A_981 = vector.broadcast %broadcast_in_dim3A_980 : i32 to vector<16xi32>
        %lt3A_982 = arith.constant 0 : i32
        %lt3A_983 = vector.broadcast %lt3A_982 : i32 to vector<16xi32>
        %lt3A_984 = arith.cmpi slt, %broadcast_in_dim3A_981, %lt3A_983 : vector<16xi32>
        %add3A_985 = arith.constant 16 : i32
        %add3A_986 = vector.broadcast %add3A_985 : i32 to vector<16xi32>
        %add3A_987 = arith.addi %broadcast_in_dim3A_981, %add3A_986 : vector<16xi32>
        %select_n3A_988 = arith.select %lt3A_984, %add3A_987, %broadcast_in_dim3A_981 : vector<16xi1>, vector<16xi32>
        %broadcast_in_dim3A_989 = vector.shape_cast %select_n3A_988 : vector<16xi32> to vector<16x1xi32>
        %gather3A_990 = vector.shape_cast %broadcast_in_dim3A_989 : vector<16x1xi32> to vector<16xi32>
        %gather3A_991 = tpu.dynamic_gather %select_n3A[%gather3A_990] in [0] : vector<16xf32>, vector<16xi32> -> vector<16xf32>
        %get3A_992 = arith.index_cast %rem3A_29 : i32 to index
        %get3A_993 = arith.index_cast %add3A_979 : i32 to index
        %get3A_994 = arith.constant 0 : index
        %get3A_995 = tpu.vector_load %arg6[%get3A_992, %get3A_993, %get3A_994] {strides = array<i32>} : memref<4x128x64xf32, #tpu.memory_space<vmem>>, vector<1x1x16xf32>,
        %get3A_996 = vector.shape_cast %get3A_995 : vector<1x1x16xf32> to vector<16xf32>
        %mul3A_997 = arith.mulf %get3A_996, %gather3A_991 : vector<16xf32>
        %swap3A_998 = arith.index_cast %rem3A_29 : i32 to index
        %swap3A_999 = arith.index_cast %add3A_979 : i32 to index
        %swap3A_1000 = arith.constant 0 : index
        %swap3A_1001 = tpu.vector_load %arg6[%swap3A_998, %swap3A_999, %swap3A_1000] {strides = array<i32>} : memref<4x128x64xf32, #tpu.memory_space<vmem>>, vector<1x1x16xf32>,
        %swap3A_1002 = vector.shape_cast %swap3A_1001 : vector<1x1x16xf32> to vector<16xf32>
        %swap3A_1003 = vector.shape_cast %mul3A_997 : vector<16xf32> to vector<1x1x16xf32>
        tpu.vector_store %arg6[%swap3A_998, %swap3A_999, %swap3A_1000], %swap3A_1003 {strides = array<i32>} : memref<4x128x64xf32, #tpu.memory_space<vmem>>, vector<1x1x16xf32>,
        %get3A_1004 = arith.index_cast %rem3A_29 : i32 to index
        %get3A_1005 = arith.index_cast %add3A_979 : i32 to index
        %get3A_1006 = arith.constant 16 : index
        %get3A_1007 = tpu.vector_load %arg6[%get3A_1004, %get3A_1005, %get3A_1006] {strides = array<i32>} : memref<4x128x64xf32, #tpu.memory_space<vmem>>, vector<1x1x16xf32>,
        %get3A_1008 = vector.shape_cast %get3A_1007 : vector<1x1x16xf32> to vector<16xf32>
        %mul3A_1009 = arith.mulf %get3A_1008, %gather3A_991 : vector<16xf32>
        %swap3A_1010 = arith.index_cast %rem3A_29 : i32 to index
        %swap3A_1011 = arith.index_cast %add3A_979 : i32 to index
        %swap3A_1012 = arith.constant 16 : index
        %swap3A_1013 = tpu.vector_load %arg6[%swap3A_1010, %swap3A_1011, %swap3A_1012] {strides = array<i32>} : memref<4x128x64xf32, #tpu.memory_space<vmem>>, vector<1x1x16xf32>,
        %swap3A_1014 = vector.shape_cast %swap3A_1013 : vector<1x1x16xf32> to vector<16xf32>
        %swap3A_1015 = vector.shape_cast %mul3A_1009 : vector<16xf32> to vector<1x1x16xf32>
        tpu.vector_store %arg6[%swap3A_1010, %swap3A_1011, %swap3A_1012], %swap3A_1015 {strides = array<i32>} : memref<4x128x64xf32, #tpu.memory_space<vmem>>, vector<1x1x16xf32>,
        %get3A_1016 = arith.index_cast %rem3A_29 : i32 to index
        %get3A_1017 = arith.index_cast %add3A_979 : i32 to index
        %get3A_1018 = arith.constant 32 : index
        %get3A_1019 = tpu.vector_load %arg6[%get3A_1016, %get3A_1017, %get3A_1018] {strides = array<i32>} : memref<4x128x64xf32, #tpu.memory_space<vmem>>, vector<1x1x16xf32>,
        %get3A_1020 = vector.shape_cast %get3A_1019 : vector<1x1x16xf32> to vector<16xf32>
        %mul3A_1021 = arith.mulf %get3A_1020, %gather3A_991 : vector<16xf32>
        %swap3A_1022 = arith.index_cast %rem3A_29 : i32 to index
        %swap3A_1023 = arith.index_cast %add3A_979 : i32 to index
        %swap3A_1024 = arith.constant 32 : index
        %swap3A_1025 = tpu.vector_load %arg6[%swap3A_1022, %swap3A_1023, %swap3A_1024] {strides = array<i32>} : memref<4x128x64xf32, #tpu.memory_space<vmem>>, vector<1x1x16xf32>,
        %swap3A_1026 = vector.shape_cast %swap3A_1025 : vector<1x1x16xf32> to vector<16xf32>
        %swap3A_1027 = vector.shape_cast %mul3A_1021 : vector<16xf32> to vector<1x1x16xf32>
        tpu.vector_store %arg6[%swap3A_1022, %swap3A_1023, %swap3A_1024], %swap3A_1027 {strides = array<i32>} : memref<4x128x64xf32, #tpu.memory_space<vmem>>, vector<1x1x16xf32>,
        %get3A_1028 = arith.index_cast %rem3A_29 : i32 to index
        %get3A_1029 = arith.index_cast %add3A_979 : i32 to index
        %get3A_1030 = arith.constant 48 : index
        %get3A_1031 = tpu.vector_load %arg6[%get3A_1028, %get3A_1029, %get3A_1030] {strides = array<i32>} : memref<4x128x64xf32, #tpu.memory_space<vmem>>, vector<1x1x16xf32>,
        %get3A_1032 = vector.shape_cast %get3A_1031 : vector<1x1x16xf32> to vector<16xf32>
        %mul3A_1033 = arith.mulf %get3A_1032, %gather3A_991 : vector<16xf32>
        %swap3A_1034 = arith.index_cast %rem3A_29 : i32 to index
        %swap3A_1035 = arith.index_cast %add3A_979 : i32 to index
        %swap3A_1036 = arith.constant 48 : index
        %swap3A_1037 = tpu.vector_load %arg6[%swap3A_1034, %swap3A_1035, %swap3A_1036] {strides = array<i32>} : memref<4x128x64xf32, #tpu.memory_space<vmem>>, vector<1x1x16xf32>,
        %swap3A_1038 = vector.shape_cast %swap3A_1037 : vector<1x1x16xf32> to vector<16xf32>
        %swap3A_1039 = vector.shape_cast %mul3A_1033 : vector<16xf32> to vector<1x1x16xf32>
        tpu.vector_store %arg6[%swap3A_1034, %swap3A_1035, %swap3A_1036], %swap3A_1039 {strides = array<i32>} : memref<4x128x64xf32, #tpu.memory_space<vmem>>, vector<1x1x16xf32>,
        %mul3A_1040 = arith.constant 16 : i32
        %mul3A_1041 = arith.muli %scan3A_72, %mul3A_1040 : i32
        %add3A_1042 = arith.constant 15 : i32
        %add3A_1043 = arith.addi %mul3A_1041, %add3A_1042 : i32
        %broadcast_in_dim3A_1044 = arith.constant 15 : i32
        %broadcast_in_dim3A_1045 = vector.broadcast %broadcast_in_dim3A_1044 : i32 to vector<16xi32>
        %lt3A_1046 = arith.constant 0 : i32
        %lt3A_1047 = vector.broadcast %lt3A_1046 : i32 to vector<16xi32>
        %lt3A_1048 = arith.cmpi slt, %broadcast_in_dim3A_1045, %lt3A_1047 : vector<16xi32>
        %add3A_1049 = arith.constant 16 : i32
        %add3A_1050 = vector.broadcast %add3A_1049 : i32 to vector<16xi32>
        %add3A_1051 = arith.addi %broadcast_in_dim3A_1045, %add3A_1050 : vector<16xi32>
        %select_n3A_1052 = arith.select %lt3A_1048, %add3A_1051, %broadcast_in_dim3A_1045 : vector<16xi1>, vector<16xi32>
        %broadcast_in_dim3A_1053 = vector.shape_cast %select_n3A_1052 : vector<16xi32> to vector<16x1xi32>
        %gather3A_1054 = vector.shape_cast %broadcast_in_dim3A_1053 : vector<16x1xi32> to vector<16xi32>
        %gather3A_1055 = tpu.dynamic_gather %select_n3A[%gather3A_1054] in [0] : vector<16xf32>, vector<16xi32> -> vector<16xf32>
        %get3A_1056 = arith.index_cast %rem3A_29 : i32 to index
        %get3A_1057 = arith.index_cast %add3A_1043 : i32 to index
        %get3A_1058 = arith.constant 0 : index
        %get3A_1059 = tpu.vector_load %arg6[%get3A_1056, %get3A_1057, %get3A_1058] {strides = array<i32>} : memref<4x128x64xf32, #tpu.memory_space<vmem>>, vector<1x1x16xf32>,
        %get3A_1060 = vector.shape_cast %get3A_1059 : vector<1x1x16xf32> to vector<16xf32>
        %mul3A_1061 = arith.mulf %get3A_1060, %gather3A_1055 : vector<16xf32>
        %swap3A_1062 = arith.index_cast %rem3A_29 : i32 to index
        %swap3A_1063 = arith.index_cast %add3A_1043 : i32 to index
        %swap3A_1064 = arith.constant 0 : index
        %swap3A_1065 = tpu.vector_load %arg6[%swap3A_1062, %swap3A_1063, %swap3A_1064] {strides = array<i32>} : memref<4x128x64xf32, #tpu.memory_space<vmem>>, vector<1x1x16xf32>,
        %swap3A_1066 = vector.shape_cast %swap3A_1065 : vector<1x1x16xf32> to vector<16xf32>
        %swap3A_1067 = vector.shape_cast %mul3A_1061 : vector<16xf32> to vector<1x1x16xf32>
        tpu.vector_store %arg6[%swap3A_1062, %swap3A_1063, %swap3A_1064], %swap3A_1067 {strides = array<i32>} : memref<4x128x64xf32, #tpu.memory_space<vmem>>, vector<1x1x16xf32>,
        %get3A_1068 = arith.index_cast %rem3A_29 : i32 to index
        %get3A_1069 = arith.index_cast %add3A_1043 : i32 to index
        %get3A_1070 = arith.constant 16 : index
        %get3A_1071 = tpu.vector_load %arg6[%get3A_1068, %get3A_1069, %get3A_1070] {strides = array<i32>} : memref<4x128x64xf32, #tpu.memory_space<vmem>>, vector<1x1x16xf32>,
        %get3A_1072 = vector.shape_cast %get3A_1071 : vector<1x1x16xf32> to vector<16xf32>
        %mul3A_1073 = arith.mulf %get3A_1072, %gather3A_1055 : vector<16xf32>
        %swap3A_1074 = arith.index_cast %rem3A_29 : i32 to index
        %swap3A_1075 = arith.index_cast %add3A_1043 : i32 to index
        %swap3A_1076 = arith.constant 16 : index
        %swap3A_1077 = tpu.vector_load %arg6[%swap3A_1074, %swap3A_1075, %swap3A_1076] {strides = array<i32>} : memref<4x128x64xf32, #tpu.memory_space<vmem>>, vector<1x1x16xf32>,
        %swap3A_1078 = vector.shape_cast %swap3A_1077 : vector<1x1x16xf32> to vector<16xf32>
        %swap3A_1079 = vector.shape_cast %mul3A_1073 : vector<16xf32> to vector<1x1x16xf32>
        tpu.vector_store %arg6[%swap3A_1074, %swap3A_1075, %swap3A_1076], %swap3A_1079 {strides = array<i32>} : memref<4x128x64xf32, #tpu.memory_space<vmem>>, vector<1x1x16xf32>,
        %get3A_1080 = arith.index_cast %rem3A_29 : i32 to index
        %get3A_1081 = arith.index_cast %add3A_1043 : i32 to index
        %get3A_1082 = arith.constant 32 : index
        %get3A_1083 = tpu.vector_load %arg6[%get3A_1080, %get3A_1081, %get3A_1082] {strides = array<i32>} : memref<4x128x64xf32, #tpu.memory_space<vmem>>, vector<1x1x16xf32>,
        %get3A_1084 = vector.shape_cast %get3A_1083 : vector<1x1x16xf32> to vector<16xf32>
        %mul3A_1085 = arith.mulf %get3A_1084, %gather3A_1055 : vector<16xf32>
        %swap3A_1086 = arith.index_cast %rem3A_29 : i32 to index
        %swap3A_1087 = arith.index_cast %add3A_1043 : i32 to index
        %swap3A_1088 = arith.constant 32 : index
        %swap3A_1089 = tpu.vector_load %arg6[%swap3A_1086, %swap3A_1087, %swap3A_1088] {strides = array<i32>} : memref<4x128x64xf32, #tpu.memory_space<vmem>>, vector<1x1x16xf32>,
        %swap3A_1090 = vector.shape_cast %swap3A_1089 : vector<1x1x16xf32> to vector<16xf32>
        %swap3A_1091 = vector.shape_cast %mul3A_1085 : vector<16xf32> to vector<1x1x16xf32>
        tpu.vector_store %arg6[%swap3A_1086, %swap3A_1087, %swap3A_1088], %swap3A_1091 {strides = array<i32>} : memref<4x128x64xf32, #tpu.memory_space<vmem>>, vector<1x1x16xf32>,
        %get3A_1092 = arith.index_cast %rem3A_29 : i32 to index
        %get3A_1093 = arith.index_cast %add3A_1043 : i32 to index
        %get3A_1094 = arith.constant 48 : index
        %get3A_1095 = tpu.vector_load %arg6[%get3A_1092, %get3A_1093, %get3A_1094] {strides = array<i32>} : memref<4x128x64xf32, #tpu.memory_space<vmem>>, vector<1x1x16xf32>,
        %get3A_1096 = vector.shape_cast %get3A_1095 : vector<1x1x16xf32> to vector<16xf32>
        %mul3A_1097 = arith.mulf %get3A_1096, %gather3A_1055 : vector<16xf32>
        %swap3A_1098 = arith.index_cast %rem3A_29 : i32 to index
        %swap3A_1099 = arith.index_cast %add3A_1043 : i32 to index
        %swap3A_1100 = arith.constant 48 : index
        %swap3A_1101 = tpu.vector_load %arg6[%swap3A_1098, %swap3A_1099, %swap3A_1100] {strides = array<i32>} : memref<4x128x64xf32, #tpu.memory_space<vmem>>, vector<1x1x16xf32>,
        %swap3A_1102 = vector.shape_cast %swap3A_1101 : vector<1x1x16xf32> to vector<16xf32>
        %swap3A_1103 = vector.shape_cast %mul3A_1097 : vector<16xf32> to vector<1x1x16xf32>
        tpu.vector_store %arg6[%swap3A_1098, %swap3A_1099, %swap3A_1100], %swap3A_1103 {strides = array<i32>} : memref<4x128x64xf32, #tpu.memory_space<vmem>>, vector<1x1x16xf32>,
      }
      %scan3A_54 = arith.constant 8 : i32
      %add3A_55 = arith.addi %mul3A_2, %scan3A_28 : i32
      %mul3A_56 = arith.constant 128 : i32
      %mul3A_57 = arith.muli %add3A_55, %mul3A_56 : i32
      %dma_start3A_58 = arith.constant 0 : i32
      %dma_start3A_59 = arith.constant 0 : i32
      %dma_start3A_60 = tpu.memref_slice %arg6[%rem3A_29, %dma_start3A_58, %dma_start3A_59] : memref<4x128x64xf32, #tpu.memory_space<vmem>> -> memref<1x128x64xf32, #tpu.memory_space<vmem>>
      %dma_start3A_61 = tpu.memref_squeeze %dma_start3A_60 : memref<1x128x64xf32, #tpu.memory_space<vmem>> -> memref<128x64xf32, #tpu.memory_space<vmem>>
      %dma_start3A_62 = arith.constant 0 : i32
      %dma_start3A_63 = tpu.memref_slice %arg4[%mul3A_57, %dma_start3A_62] : memref<204800x64xf32, #tpu.memory_space<hbm>> -> memref<128x64xf32, #tpu.memory_space<hbm>>
      %dma_start3A_64 = tpu.memref_slice %arg8[%rem3A_29] : memref<4x!tpu.dma_semaphore, #tpu.memory_space<semaphore_mem>> -> memref<1x!tpu.dma_semaphore, #tpu.memory_space<semaphore_mem>>
      %dma_start3A_65 = tpu.memref_squeeze %dma_start3A_64 : memref<1x!tpu.dma_semaphore, #tpu.memory_space<semaphore_mem>> -> memref<!tpu.dma_semaphore, #tpu.memory_space<semaphore_mem>>
      %dma_start3A_66 = arith.constant 0 : i32
      %dma_start3A_67 = tpu.memref_slice %arg4[%mul3A_57, %dma_start3A_66] : memref<204800x64xf32, #tpu.memory_space<hbm>> -> memref<128x64xf32, #tpu.memory_space<hbm>>
      %dma_start3A_68 = arith.constant 0 : i32
      %dma_start3A_69 = arith.constant 0 : i32
      %dma_start3A_70 = tpu.memref_slice %arg6[%rem3A_29, %dma_start3A_68, %dma_start3A_69] : memref<4x128x64xf32, #tpu.memory_space<vmem>> -> memref<1x128x64xf32, #tpu.memory_space<vmem>>
      %dma_start3A_71 = tpu.memref_squeeze %dma_start3A_70 : memref<1x128x64xf32, #tpu.memory_space<vmem>> -> memref<128x64xf32, #tpu.memory_space<vmem>>
      tpu.enqueue_dma source(%dma_start3A_71 : memref<128x64xf32, #tpu.memory_space<vmem>>) target(%dma_start3A_67 : memref<128x64xf32, #tpu.memory_space<hbm>>) target_semaphore(%dma_start3A_65 : memref<!tpu.dma_semaphore, #tpu.memory_space<semaphore_mem>>)
    }
    %scan3A_21 = arith.constant 50 : i32
    %scan3A_22 = arith.constant 0 : i32
    %scan3A_23 = arith.constant 0 : i32
    %scan3A_24 = arith.constant 4 : i32
    %scan3A_25 = arith.addi %scan3A_23, %scan3A_24 : i32
    %scan3A_26 = arith.constant 1 : i32
    scf.for %scan3A_28 = %scan3A_23 to %scan3A_25 step %scan3A_26  : i32 {
      %sub3A = arith.constant 49 : i32
      %sub3A_29 = arith.subi %sub3A, %scan3A_28 : i32
      %rem3A = arith.constant 4 : i32
      %rem3A_30 = arith.remsi %sub3A_29, %rem3A : i32
      %add3A_31 = arith.addi %mul3A_2, %sub3A_29 : i32
      %mul3A_32 = arith.constant 128 : i32
      %mul3A_33 = arith.muli %add3A_31, %mul3A_32 : i32
      %dma_wait3A = arith.constant 0 : i32
      %dma_wait3A_34 = arith.constant 0 : i32
      %dma_wait3A_35 = tpu.memref_slice %arg6[%rem3A_30, %dma_wait3A, %dma_wait3A_34] : memref<4x128x64xf32, #tpu.memory_space<vmem>> -> memref<1x128x64xf32, #tpu.memory_space<vmem>>
      %dma_wait3A_36 = tpu.memref_squeeze %dma_wait3A_35 : memref<1x128x64xf32, #tpu.memory_space<vmem>> -> memref<128x64xf32, #tpu.memory_space<vmem>>
      %dma_wait3A_37 = arith.constant 0 : i32
      %dma_wait3A_38 = tpu.memref_slice %arg4[%mul3A_33, %dma_wait3A_37] : memref<204800x64xf32, #tpu.memory_space<hbm>> -> memref<128x64xf32, #tpu.memory_space<hbm>>
      %dma_wait3A_39 = tpu.memref_slice %arg8[%rem3A_30] : memref<4x!tpu.dma_semaphore, #tpu.memory_space<semaphore_mem>> -> memref<1x!tpu.dma_semaphore, #tpu.memory_space<semaphore_mem>>
      %dma_wait3A_40 = tpu.memref_squeeze %dma_wait3A_39 : memref<1x!tpu.dma_semaphore, #tpu.memory_space<semaphore_mem>> -> memref<!tpu.dma_semaphore, #tpu.memory_space<semaphore_mem>>
      %dma_wait3A_41 = arith.constant 0 : i32
      %dma_wait3A_42 = tpu.memref_slice %arg4[%mul3A_33, %dma_wait3A_41] : memref<204800x64xf32, #tpu.memory_space<hbm>> -> memref<128x64xf32, #tpu.memory_space<hbm>>
      %dma_wait3A_43 = arith.constant 0 : i32
      %dma_wait3A_44 = arith.constant 0 : i32
      %dma_wait3A_45 = tpu.memref_slice %arg6[%rem3A_30, %dma_wait3A_43, %dma_wait3A_44] : memref<4x128x64xf32, #tpu.memory_space<vmem>> -> memref<1x128x64xf32, #tpu.memory_space<vmem>>
      %dma_wait3A_46 = tpu.memref_squeeze %dma_wait3A_45 : memref<1x128x64xf32, #tpu.memory_space<vmem>> -> memref<128x64xf32, #tpu.memory_space<vmem>>
      tpu.wait_dma2 semaphore(%dma_wait3A_40 : memref<!tpu.dma_semaphore, #tpu.memory_space<semaphore_mem>>) src(%dma_wait3A_46 : memref<128x64xf32, #tpu.memory_space<vmem>>) dst(%dma_wait3A_42 : memref<128x64xf32, #tpu.memory_space<hbm>>)
    }
    %scan3A_27 = arith.constant 4 : i32
    return
  }
}

</mosaic_0001>

<sc_bundles>
// kernel: kernel.3.cloned.1.call-start
scs
__scs_entry_jumppad:
0x0: {  	(pc) =	sbr.rel $0x88, $3  }
0x1: {  	(tag) =	ssettag $0x0;
	lr =	simm.s32 $0x1  }
0x2: {  	[smem:$0x3F9F] =	sst lr;
	_ =	strace $0xD0000000  }
0x3: {  	_ = 	snop  }
0x4: {  	_ = 	snop  }
0x5: {  	_ = 	snop  }
0x6: {  	_ = 	snop  }
0x7: {  	_ = 	snop  }
__scs_overlays_trampoline_lowered:
0x8: {  	[smem:$0x3FAE] =	sst s0  }
0x9: {  	[smem:$0x3FAF] =	sst s1  }
0xa: {  	[smem:$0x3FB0] =	sst s2  }
0xb: {  	[smem:$0x3FB1] =	sst s3  }
0xc: {  	[smem:$0x3FB2] =	sst s4  }
0xd: {  	[smem:$0x3FB3] =	sst s5  }
0xe: {  	[smem:$0x3FB4] =	sst s6  }
0xf: {  	[smem:$0x3FB5] =	sst s7  }
0x10: {  	[smem:$0x3FB6] =	sst s8  }
0x11: {  	[smem:$0x3FB7] =	sst s9;
	s0 =	simm.s32 @!p0 $0x0  }
0x12: {  	s1 =	sld [smem:$0x3F9D];
	s0 =	simm.s32 @p0 $0x1  }
0x13: {  	[smem:$0x3FB8] =	sst s0;
	s0 =	simm.s32 @!p1 $0x0  }
0x14: {  	s2 =	sld [smem:$0x3F9C];
	s0 =	simm.s32 @p1 $0x1  }
0x15: {  	[smem:$0x3FB9] =	sst s0;
	s0 =	simm.s32 @!p2 $0x0  }
0x16: {  	s3 =	sld [smem:$0x3FDB];
	s0 =	simm.s32 @p2 $0x1  }
0x17: {  	s4 =	simm.s32 $0x1BF5;
	[smem:$0x3FBB] =	sst s0  }
0x18: {  	s0 =	sld [smem:$0x3F9E];
	_ =	swait.ge [sflag:s4], $0x0  }
0x19: {  	s7 =	sld [smem:$0x3F9F]  }
0x1a: {  	s8 =	sadd.s32 $0xFFFFE003, lr  }
0x1b: {  	s9 =	sadd.s32 $0xFFFFFEF7, lr;
	s5 =	simm.s32 $0xFFFFFFFF;
	p2 =	slt.u32 s8, $0xFFFFF086  }
0x1c: {  	p1 =	slt.u32 s9, $0xF7A;
	s5 =	simm.s32 @!p2 $0x0  }
0x1d: {  	s5 =	simm.s32 @p1 $0x1;
	p0 =	seq.s32 s7, s2  }
0x1e: {  	s7 =	smul.u32 @!p0 $0xF7A, s2;
	p2 =	seq.s32 @!p0 s5, $0x0  }
0x1f: {  	s9 =	smul.u32 $0xF7A, s1;
	s8 =	simm.s32 @!p0 $0x1BF5;
	p2 =	por !p2, p0  }
0x20: {  	[sflag:s8] =	ssyncset.s32 @!p0 $0xFFFFF086;
	s6 =	sadd.s32 @!p0 s3, s7;
	s7 =	simm.s32 @!p0 $0x108  }
0x21: {  	s3 =	sadd.s32 s3, s9;
	s6 =	sadd.s32 @!p0 $0x88, s6;
	s7 =	simm.s32 @p2 $0x1082  }
0x22: {  	[simem:s7], [sflag:s8] =	dma.local @!p0 [hbm:s6], $0xF7A  }
0x23: {  	s9 =	sor.u32 $0xD0000000, s2;
	s6 =	simm.s32 $0x108;
	_ =	swait.ge @!p0 [sflag:s8], $0x0  }
0x24: {  	s3 =	sadd.s32 $0x88, s3;
	s6 =	simm.s32 @!p1 $0x1082;
	[sflag:s4] =	ssyncset.s32 $0xFFFFF086  }
0x25: {  	[simem:s6], [sflag:s4] =	dma.local [hbm:s3], $0xF7A  }
0x26: {  	[smem:$0x3F9F] =	sst s1;
	(tag) =	ssettag s2;
	_ =	strace s9  }
0x27: {  	s1 =	sld [smem:$0x3FAF]  }
0x28: {  	s2 =	sld [smem:$0x3FB0]  }
0x29: {  	s4 =	sld [smem:$0x3FB2]  }
0x2a: {  	p0 =	seq.s32 s5, $0x0;
	s5 =	sld [smem:$0x3FB3]  }
0x2b: {  	s6 =	sld [smem:$0x3FB4]  }
0x2c: {  	s7 =	sld [smem:$0x3FB5]  }
0x2d: {  	s3 =	simm.s32 $0x108;
	s8 =	sld [smem:$0x3FB6]  }
0x2e: {  	s3 =	simm.s32 @!p0 $0x1082;
	s9 =	sld [smem:$0x3FB7]  }
0x2f: {  	lr =	sadd.s32 s0, s3;
	s0 =	sld [smem:$0x3FAE]  }
0x30: {  	s3 =	sld [smem:$0x3FB1]  }
0x31: {  	[smem:$0x3FBA] =	sst s10  }
0x32: {  	s10 =	sld [smem:$0x3FB8];
	_ =	sdelay $0x3  }
0x33: {  	p0 =	seq.s32 s10, $0x1;
	s10 =	sld [smem:$0x3FBA];
	_ =	sdelay $0x3  }
0x34: {  	[smem:$0x3FBA] =	sst s10  }
0x35: {  	s10 =	sld [smem:$0x3FB9];
	_ =	sdelay $0x3  }
0x36: {  	p1 =	seq.s32 s10, $0x1;
	s10 =	sld [smem:$0x3FBA];
	_ =	sdelay $0x3  }
0x37: {  	[smem:$0x3FBA] =	sst s10  }
0x38: {  	s10 =	sld [smem:$0x3FBB]  }
0x39: {  	_ = 	snop;
	(pc) =	sbr.ind lr, $3  }
0x3a: {  	_ = 	snop  }
0x3b: {  	_ = 	snop  }
0x3c: {  	p2 =	seq.s32 s10, $0x1;
	s10 =	sld [smem:$0x3FBA]  }
0x3d: {  	_ =	shalt  }
0x3e: {  	_ =	shalt  }
0x3f: {  	_ =	shalt  }
0x40: {  	_ =	shalt  }
0x41: {  	_ =	shalt  }
0x42: {  	_ =	shalt  }
0x43: {  	_ =	shalt  }
0x44: {  	_ =	shalt  }
0x45: {  	_ =	shalt  }
0x46: {  	_ =	shalt  }
0x47: {  	_ =	shalt  }
0x48: {  	_ =	shalt  }
0x49: {  	_ =	shalt  }
0x4a: {  	_ =	shalt  }
0x4b: {  	_ =	shalt  }
0x4c: {  	_ =	shalt  }
0x4d: {  	_ =	shalt  }
0x4e: {  	_ =	shalt  }
0x4f: {  	_ =	shalt  }
0x50: {  	_ =	shalt  }
0x51: {  	_ =	shalt  }
0x52: {  	_ =	shalt  }
0x53: {  	_ =	shalt  }
0x54: {  	_ =	shalt  }
0x55: {  	_ =	shalt  }
0x56: {  	_ =	shalt  }
0x57: {  	_ =	shalt  }
0x58: {  	_ =	shalt  }
0x59: {  	_ =	shalt  }
0x5a: {  	_ =	shalt  }
0x5b: {  	_ =	shalt  }
0x5c: {  	_ =	shalt  }
0x5d: {  	_ =	shalt  }
0x5e: {  	_ =	shalt  }
0x5f: {  	_ =	shalt  }
0x60: {  	_ =	shalt  }
0x61: {  	_ =	shalt  }
0x62: {  	_ =	shalt  }
0x63: {  	_ =	shalt  }
0x64: {  	_ =	shalt  }
0x65: {  	_ =	shalt  }
0x66: {  	_ =	shalt  }
0x67: {  	_ =	shalt  }
0x68: {  	_ =	shalt  }
0x69: {  	_ =	shalt  }
0x6a: {  	_ =	shalt  }
0x6b: {  	_ =	shalt  }
0x6c: {  	_ =	shalt  }
0x6d: {  	_ =	shalt  }
0x6e: {  	_ =	shalt  }
0x6f: {  	_ =	shalt  }
0x70: {  	_ =	shalt  }
0x71: {  	_ =	shalt  }
0x72: {  	_ =	shalt  }
0x73: {  	_ =	shalt  }
0x74: {  	_ =	shalt  }
0x75: {  	_ =	shalt  }
0x76: {  	_ =	shalt  }
0x77: {  	_ =	shalt  }
0x78: {  	_ =	shalt  }
0x79: {  	_ =	shalt  }
0x7a: {  	_ =	shalt  }
0x7b: {  	_ =	shalt  }
0x7c: {  	_ =	shalt  }
0x7d: {  	_ =	shalt  }
0x7e: {  	_ =	shalt  }
0x7f: {  	_ =	shalt  }
0x80: {  	_ =	shalt  }
0x81: {  	_ =	shalt  }
0x82: {  	_ =	shalt  }
0x83: {  	_ =	shalt  }
0x84: {  	_ =	shalt  }
0x85: {  	_ =	shalt  }
0x86: {  	_ =	shalt  }
0x87: {  	_ =	shalt  }
.Lfunc_end0:
.L_simem_size_0:
called_computation.1_lowered:
.L_overlay_start_0:
0x88: {  	s2 =	sld [smem:$0x3FD9]  }
0x89: {  	s3 =	sld [smem:$0x3FFE];
	_ =	sdelay $0x1  }
0x8a: {  	s1 =	srdreg.scid  }
0x8b: {  	s0 =	sand.u32 $0x1, s1  }
0x8c: {  	s17 =	sshll.u32 s0, $0xA;
	s2 =	sadd.s32 s3, s2  }
0x8d: {  	s2 =	sadd.s32 s2, s17  }
0x8e: {  	[smem:$0x3FC6] =	sst s2  }
0x8f: {  	_ = 	snop  }
0x90: {  	s2 =	sld [smem:$0x3FD0];
	(tm) =	ssettm $0x1  }
0x91: {  	s18 =	sld [smem:$0x3FFB];
	_ =	sdelay $0x3  }
0x92: {  	_ =	strace s18  }
0x93: {  	s3 =	sld [smem:$0x3FFC];
	_ =	sdelay $0x3  }
0x94: {  	_ =	strace s3  }
0x95: {  	s3 =	sld [smem:$0x3FFD];
	_ =	sdelay $0x3  }
0x96: {  	_ =	strace s3  }
0x97: {  	_ =	strace $0x8FFFFFFF  }
0x98: {  	s19 =	sld [smem:$0x3FDB];
	_ =	sdelay $0x1  }
0x99: {  	s4 =	simm.s32 $_scs_section_size  }
0x9a: {  	s5 =	simm.s32 $_size__tile_overlayer_lowered;
	s6 =	simm.s32 $_tile_overlayer_lowered  }
0x9b: {  	s22 =	simm.s32 $0x1BFF;
	s21 =	sshll.u32 s6, $0x1;
	s3 =	sadd.s32 s4, s19  }
0x9c: {  	s7 =	simm.s32 $0x0;
	s20 =	sshll.u32 s5, $0x1;
	s5 =	sadd.s32 s21, s3  }
0x9d: {  	[timem:s7], [sflag:s22] =	dma.local [hbm:s5], s20  }
0x9e: {  	_ =	swait.ge [sflag:s22], s20  }
0x9f: {  	s4 =	ssub.s32 $0x0, s20;
	[sflag:s22] =	ssyncset.done $0x0  }
0xa0: {  	[sflag:s22] =	ssyncadd.s32 s4;
	_ =	sdelay $0x1  }
0xa1: {  	s23 =	simm.s32 $0x1B8B  }
0xa2: {  	_ =	swait.ge [sflag:s23], $0x1  }
0xa3: {  	[sflag:s23] =	ssyncset.done $0x0  }
0xa4: {  	s25 =	simm.s32 $0x1B8E;
	s24 =	sld [smem:$0x3FFE];
	[sflag:s23] =	ssyncadd.s32 $0xFFFFFFFF  }
0xa5: {  	s26 =	simm.s32 $execute0_lowered;
	[smem:$0x3FD2] =	sst s25  }
0xa6: {  	s5 =	sshll.u32 s26, $0x1;
	_ =	strace $0x80000046;
	[dreg:$0x1] =	wrdreg $0xFFFFFFFF  }
0xa7: {  	s28 =	simm.s32 $_size_execute0_lowered;
	s3 =	sadd.s32 s3, s5;
	[dreg:$0x0] =	wrdreg $0x0  }
0xa8: {  	s5 =	sshll.u32 s28, $0x1;
	[dreg:$0x2] =	wrdreg s3  }
0xa9: {  	[dreg:$0x3] =	wrdreg s5  }
0xaa: {  	[dreg:$0x4] =	wrdreg $0xC0  }
0xab: {  	_ =	task [dreg:s7], $0x5FFFF  }
0xac: {  	[dreg:$0x1] =	wrdreg $0xFFFFFFFF  }
0xad: {  	[dreg:$0x0] =	wrdreg $0x60  }
0xae: {  	[dreg:$0x2] =	wrdreg s24  }
0xaf: {  	[dreg:$0x3] =	wrdreg s2  }
0xb0: {  	[dreg:$0x4] =	wrdreg $0x9  }
0xb1: {  	_ =	task.clear_ibuf [dreg:s7], $0x5FFFF;
	_ =	strace $0x90000046  }
0xb2: {  	s29 =	simm.s32 $0x9;
	_ =	strace $0x80000048  }
0xb3: {  	_ =	swait.ge [sflag:s29], $0x1  }
0xb4: {  	[sflag:s29] =	ssyncadd.s32 $0xFFFFFFFF  }
0xb5: {  	_ =	strace $0x90000048  }
0xb6: {  	_ =	sfence  }
0xb7: {  	s30 =	sld [smem:$0x0];
	_ =	sdelay $0x2  }
0xb8: {  	s31 =	sshll.u32 s1, $0xD;
	s1 =	sshrl.u32 s1, $0x2  }
0xb9: {  	s3 =	sand.u32 $0x4000, s31;
	s1 =	sadd.s32 s1, s30  }
0xba: {  	s0 =	sor.u32 s3, s0;
	s1 =	sshll.u32 s1, $0x11  }
0xbb: {  	s0 =	sor.u32 s1, s0  }
0xbc: {  	s0 =	sadd.s32 $0x8F2B, s0  }
0xbd: {  	[sflag:s0] =	ssyncadd.remote.s32 $0x1  }
0xbe: {  	_ =	sfence.sel $0xFFFF  }
0xbf: {  	[dreg:$0x0] =	wrdreg $0xFFFFFFFF;
	(pc) =	sbr.abs _section_cstart, $3  }
0xc0: {  	[dreg:$0x1] =	wrdreg $0xFFFFFFFF  }
0xc1: {  	_ =	task.clear_ibuf [dreg:s7], $0x2FFFF;
	_ =	strace $0x9FFFFFFF  }
0xc2: {  	(tm) =	ssettm $0x7FFFFFFF  }
0xc3: {  	_ =	shalt  }
tec
execute0_lowered:
.L_overlay_start_1:
0x0: {  	(tag) =	ssettag $0x1  }
0x1: {  	s4 =	rddreg [dreg:$0x0];
	s1 =	srdreg.scid  }
0x2: {  	s0 =	stileid.u32;
	s2 =	rddreg [dreg:$0x1]  }
0x3: {  	s3 =	simm.s32 $0x0;
	s9 =	simm.s32 $0x80;
	s10 =	simm.s32 $0x1900  }
0x4: {  	s11 =	simm.s32 $0x6;
	s12 =	simm.s32 $0x5;
	s13 =	simm.s32 $0x8  }
0x5: {  	v0 =	vimm.s32 $0x0;
	v1 =	vimm.f32 $8.000000000e+00;
	s14 =	simm.s32 $0x7;
	s5 =	sand.u32 $0x1, s1;
	s6 =	sshll.u32 s0, $0x1  }
0x6: {  	v2 =	vimm.s32 $0x1;
	v3 =	vimm.s32 $0x2;
	v4 =	vimm.s32 $0x3;
	s15 =	simm.s32 $0x0;
	s6 =	sor.u32 s5, s6;
	s5 =	ssub.s32 $0x2, s5  }
0x7: {  	v5 =	vimm.s32 $0x4;
	v6 =	vimm.s32 $0x5;
	v7 =	vimm.s32 $0x6;
	[smem:$0x7FF] =	sst s3;
	s7 =	smul.u32 $0x320, s6;
	s8 =	sshrl.u32 s5, $0x1  }
0x8: {  	v8 =	vimm.s32 $0x7;
	v9 =	vimm.s32 $0x8;
	v10 =	vimm.s32 $0x9;
	s1 =	rddreg [dreg:$0x2];
	_ =	strace $0x80000047;
	s8 =	ssub.s32 s5, s8  }
0x9: {  	v11 =	vimm.s32 $0xA;
	v12 =	vimm.s32 $0xB;
	v13 =	vimm.s32 $0xC;
	s5 =	smul.u32 $0x32, s6;
	s7 =	sadd.s32 s7, s4;
	s4 =	sadd.s32 $0xF42E00, s4  }
0xa: {  	v14 =	vimm.s32 $0xD;
	v15 =	vimm.s32 $0xE;
	v16 =	vimm.s32 $0xF;
	s6 =	sadd.s32 $0xA00, s7;
	s7 =	smax.u32 s8, $0x1;
	s8 =	simm.s32 $0x9  }
.LBB2_1:
0xb: {  	[tilespmem:s3], [sflag:$0x9] =	stream.linear.gather [hbm4b:s6+s3], $0x1900, $0x38;
	[tilespmem:$0x9900] =	vst v63  }
0xc: {  	_ =	swait.ge [sflag:s8], $0x1900  }
0xd: {  	s16 =	simm.s32 $0x0;
	[sflag:s8] =	ssyncset.done $0x0  }
0xe: {  	s17 =	simm.s32 $0x0;
	s19 =	simm.s32 $0x0;
	[sflag:s8] =	ssyncadd.s32 $0xFFFFE700  }
0xf: {  	[tilespmem:s10], [sflag:$0x1] =	stream.indirect.gather [hbm4b:s4+s9], $0x40, s3, s9, $0xb8;
	[tilespmem:$0x9900] =	vst v63  }
.LBB2_2:
0x10: {  	p0 =	seq.s32 s19, $0x31  }
0x11: {  	s18 =	sadd.s32 $0x1, s19;
	p1 =	slt.u32 @!p0 s19, $0x3  }
0x12: {  	s21 =	sand.u32 $0x3, s18;
	p1 =	por p1, p0  }
0x13: {  	s22 =	sadd.s32 @!p1 $0x5, s21  }
0x14: {  	s20 =	sand.u32 $0x3, s19;
	_ =	swait.ge @!p1 [sflag:s22], $0x2000  }
0x15: {  	s24 =	simm.s32 @!p0 $0x80;
	s23 =	sshll.u32 @!p0 s21, $0xD;
	[sflag:s22] =	ssyncset.done @!p1 $0x0  }
0x16: {  	[sflag:s22] =	ssyncadd.s32 @!p1 $0xFFFFE000;
	s22 =	sor.u32 @!p0 $0x1900, s23;
	s23 =	sshll.u32 @!p0 s18, $0x7  }
0x17: {  	s30 =	sadd.s32 $0x1, s20;
	s21 =	sadd.s32 @!p0 $0x1, s21;
	s23 =	sand.u32 @!p0 $0x3FFFFF80, s23  }
0x18: {  	v17 =	vmov s17;
	[tilespmem:s22], [sflag:s21] =	stream.indirect.gather @!p0 [hbm4b:s4+s24], $0x40, s23, s24, $0xb8;
	[tilespmem:$0x9900] =	vst v63  }
0x19: {  	s29 =	sand.u32 $0x3, s16;
	s31 =	sshll.u32 s20, $0xD;
	_ =	swait.ge [sflag:s30], $0x2000  }
0x1a: {  	s21 =	sshll.u32 s29, $0xD;
	s23 =	simm.s32 $0x0;
	[sflag:s30] =	ssyncset.done $0x0  }
0x1b: {  	s22 =	sor.u32 $0x1B00, s21;
	s21 =	sor.u32 $0x1900, s31;
	[sflag:s30] =	ssyncadd.s32 $0xFFFFE000  }
.LBB2_3:
0x1c: {  	s24 =	sshra.s32 s23, $0x2  }
0x1d: {  	v18 =	vld.idx.msk [tilespmem:v17+s24+$0x0 ss:$0x1], $0xffff;
	_ =	sdelay $0x3  }
0x1e: {  	v19 =	vld [tilespmem:s22+$0xFFFFFE00]  }
0x1f: {  	vm0 =	veq.s32 v18, $0x0  }
0x20: {  	v18 =	vsel vm0, $0x0, v1  }
0x21: {  	v20 =	vperm.xlane v18, v0;
	_ =	sdelay $0x1  }
0x22: {  	v19 =	vmul.f32 v19, v20;
	_ =	sdelay $0x1  }
0x23: {  	[tilespmem:s22+$0xFFFFFE00] =	vst v19;
	v19 =	vld [tilespmem:s22+$0xFFFFFE10];
	_ =	sdelay $0x4  }
0x24: {  	v19 =	vmul.f32 v19, v20;
	_ =	sdelay $0x1  }
0x25: {  	[tilespmem:s22+$0xFFFFFE10] =	vst v19;
	v19 =	vld [tilespmem:s22+$0xFFFFFE20];
	_ =	sdelay $0x4  }
0x26: {  	v19 =	vmul.f32 v19, v20;
	_ =	sdelay $0x1  }
0x27: {  	[tilespmem:s22+$0xFFFFFE20] =	vst v19;
	v19 =	vld [tilespmem:s22+$0xFFFFFE30];
	_ =	sdelay $0x4  }
0x28: {  	v19 =	vmul.f32 v19, v20;
	_ =	sdelay $0x1  }
0x29: {  	[tilespmem:s22+$0xFFFFFE30] =	vst v19;
	v19 =	vld [tilespmem:s22+$0xFFFFFE40];
	_ =	sdelay $0x2  }
0x2a: {  	v50 =	vperm.xlane v18, v2;
	_ =	sdelay $0x1  }
0x2b: {  	v19 =	vmul.f32 v19, v50;
	_ =	sdelay $0x1  }
0x2c: {  	[tilespmem:s22+$0xFFFFFE40] =	vst v19;
	v19 =	vld [tilespmem:s22+$0xFFFFFE50];
	_ =	sdelay $0x4  }
0x2d: {  	v19 =	vmul.f32 v19, v50;
	_ =	sdelay $0x1  }
0x2e: {  	[tilespmem:s22+$0xFFFFFE50] =	vst v19;
	v19 =	vld [tilespmem:s22+$0xFFFFFE60];
	_ =	sdelay $0x4  }
0x2f: {  	v19 =	vmul.f32 v19, v50;
	_ =	sdelay $0x1  }
0x30: {  	[tilespmem:s22+$0xFFFFFE60] =	vst v19;
	v19 =	vld [tilespmem:s22+$0xFFFFFE70];
	_ =	sdelay $0x4  }
0x31: {  	v19 =	vmul.f32 v19, v50;
	_ =	sdelay $0x1  }
0x32: {  	[tilespmem:s22+$0xFFFFFE70] =	vst v19;
	v19 =	vld [tilespmem:s22+$0xFFFFFE80];
	_ =	sdelay $0x2  }
0x33: {  	v51 =	vperm.xlane v18, v3;
	_ =	sdelay $0x1  }
0x34: {  	v19 =	vmul.f32 v19, v51;
	_ =	sdelay $0x1  }
0x35: {  	[tilespmem:s22+$0xFFFFFE80] =	vst v19;
	v19 =	vld [tilespmem:s22+$0xFFFFFE90];
	_ =	sdelay $0x4  }
0x36: {  	v19 =	vmul.f32 v19, v51;
	_ =	sdelay $0x1  }
0x37: {  	[tilespmem:s22+$0xFFFFFE90] =	vst v19;
	v19 =	vld [tilespmem:s22+$0xFFFFFEA0];
	_ =	sdelay $0x4  }
0x38: {  	v19 =	vmul.f32 v19, v51;
	_ =	sdelay $0x1  }
0x39: {  	[tilespmem:s22+$0xFFFFFEA0] =	vst v19;
	v19 =	vld [tilespmem:s22+$0xFFFFFEB0];
	_ =	sdelay $0x4  }
0x3a: {  	v19 =	vmul.f32 v19, v51;
	_ =	sdelay $0x1  }
0x3b: {  	[tilespmem:s22+$0xFFFFFEB0] =	vst v19;
	v19 =	vld [tilespmem:s22+$0xFFFFFEC0];
	_ =	sdelay $0x2  }
0x3c: {  	v52 =	vperm.xlane v18, v4;
	_ =	sdelay $0x1  }
0x3d: {  	v19 =	vmul.f32 v19, v52;
	_ =	sdelay $0x1  }
0x3e: {  	[tilespmem:s22+$0xFFFFFEC0] =	vst v19;
	v19 =	vld [tilespmem:s22+$0xFFFFFED0];
	_ =	sdelay $0x4  }
0x3f: {  	v19 =	vmul.f32 v19, v52;
	_ =	sdelay $0x1  }
0x40: {  	[tilespmem:s22+$0xFFFFFED0] =	vst v19;
	v19 =	vld [tilespmem:s22+$0xFFFFFEE0];
	_ =	sdelay $0x4  }
0x41: {  	v19 =	vmul.f32 v19, v52;
	_ =	sdelay $0x1  }
0x42: {  	[tilespmem:s22+$0xFFFFFEE0] =	vst v19;
	v19 =	vld [tilespmem:s22+$0xFFFFFEF0];
	_ =	sdelay $0x4  }
0x43: {  	v19 =	vmul.f32 v19, v52;
	_ =	sdelay $0x1  }
0x44: {  	[tilespmem:s22+$0xFFFFFEF0] =	vst v19;
	v19 =	vld [tilespmem:s22+$0xFFFFFF00];
	_ =	sdelay $0x2  }
0x45: {  	v53 =	vperm.xlane v18, v5;
	_ =	sdelay $0x1  }
0x46: {  	v19 =	vmul.f32 v19, v53;
	_ =	sdelay $0x1  }
0x47: {  	[tilespmem:s22+$0xFFFFFF00] =	vst v19;
	v19 =	vld [tilespmem:s22+$0xFFFFFF10];
	_ =	sdelay $0x4  }
0x48: {  	v19 =	vmul.f32 v19, v53;
	_ =	sdelay $0x1  }
0x49: {  	[tilespmem:s22+$0xFFFFFF10] =	vst v19;
	v19 =	vld [tilespmem:s22+$0xFFFFFF20];
	_ =	sdelay $0x4  }
0x4a: {  	v19 =	vmul.f32 v19, v53;
	_ =	sdelay $0x1  }
0x4b: {  	[tilespmem:s22+$0xFFFFFF20] =	vst v19;
	v19 =	vld [tilespmem:s22+$0xFFFFFF30];
	_ =	sdelay $0x4  }
0x4c: {  	v19 =	vmul.f32 v19, v53;
	_ =	sdelay $0x1  }
0x4d: {  	[tilespmem:s22+$0xFFFFFF30] =	vst v19;
	v19 =	vld [tilespmem:s22+$0xFFFFFF40];
	_ =	sdelay $0x2  }
0x4e: {  	v54 =	vperm.xlane v18, v6;
	_ =	sdelay $0x1  }
0x4f: {  	v19 =	vmul.f32 v19, v54;
	_ =	sdelay $0x1  }
0x50: {  	[tilespmem:s22+$0xFFFFFF40] =	vst v19;
	v19 =	vld [tilespmem:s22+$0xFFFFFF50];
	_ =	sdelay $0x4  }
0x51: {  	v19 =	vmul.f32 v19, v54;
	_ =	sdelay $0x1  }
0x52: {  	[tilespmem:s22+$0xFFFFFF50] =	vst v19;
	v19 =	vld [tilespmem:s22+$0xFFFFFF60];
	_ =	sdelay $0x4  }
0x53: {  	v19 =	vmul.f32 v19, v54;
	_ =	sdelay $0x1  }
0x54: {  	[tilespmem:s22+$0xFFFFFF60] =	vst v19;
	v19 =	vld [tilespmem:s22+$0xFFFFFF70];
	_ =	sdelay $0x4  }
0x55: {  	v19 =	vmul.f32 v19, v54;
	_ =	sdelay $0x1  }
0x56: {  	[tilespmem:s22+$0xFFFFFF70] =	vst v19;
	v19 =	vld [tilespmem:s22+$0xFFFFFF80];
	_ =	sdelay $0x2  }
0x57: {  	v55 =	vperm.xlane v18, v7;
	_ =	sdelay $0x1  }
0x58: {  	v19 =	vmul.f32 v19, v55;
	_ =	sdelay $0x1  }
0x59: {  	[tilespmem:s22+$0xFFFFFF80] =	vst v19;
	v19 =	vld [tilespmem:s22+$0xFFFFFF90];
	_ =	sdelay $0x4  }
0x5a: {  	v19 =	vmul.f32 v19, v55;
	_ =	sdelay $0x1  }
0x5b: {  	[tilespmem:s22+$0xFFFFFF90] =	vst v19;
	v19 =	vld [tilespmem:s22+$0xFFFFFFA0];
	_ =	sdelay $0x4  }
0x5c: {  	v19 =	vmul.f32 v19, v55;
	_ =	sdelay $0x1  }
0x5d: {  	[tilespmem:s22+$0xFFFFFFA0] =	vst v19;
	v19 =	vld [tilespmem:s22+$0xFFFFFFB0];
	_ =	sdelay $0x4  }
0x5e: {  	v19 =	vmul.f32 v19, v55;
	_ =	sdelay $0x1  }
0x5f: {  	[tilespmem:s22+$0xFFFFFFB0] =	vst v19;
	v19 =	vld [tilespmem:s22+$0xFFFFFFC0];
	_ =	sdelay $0x2  }
0x60: {  	v56 =	vperm.xlane v18, v8;
	_ =	sdelay $0x1  }
0x61: {  	v19 =	vmul.f32 v19, v56;
	_ =	sdelay $0x1  }
0x62: {  	[tilespmem:s22+$0xFFFFFFC0] =	vst v19;
	v19 =	vld [tilespmem:s22+$0xFFFFFFD0];
	_ =	sdelay $0x4  }
0x63: {  	v19 =	vmul.f32 v19, v56;
	_ =	sdelay $0x1  }
0x64: {  	[tilespmem:s22+$0xFFFFFFD0] =	vst v19;
	v19 =	vld [tilespmem:s22+$0xFFFFFFE0];
	_ =	sdelay $0x4  }
0x65: {  	v19 =	vmul.f32 v19, v56;
	_ =	sdelay $0x1  }
0x66: {  	[tilespmem:s22+$0xFFFFFFE0] =	vst v19;
	v19 =	vld [tilespmem:s22+$0xFFFFFFF0];
	_ =	sdelay $0x4  }
0x67: {  	v19 =	vmul.f32 v19, v56;
	_ =	sdelay $0x1  }
0x68: {  	[tilespmem:s22+$0xFFFFFFF0] =	vst v19;
	v19 =	vld [tilespmem:s22+$0x0];
	_ =	sdelay $0x2  }
0x69: {  	v57 =	vperm.xlane v18, v9;
	_ =	sdelay $0x1  }
0x6a: {  	v19 =	vmul.f32 v19, v57;
	_ =	sdelay $0x1  }
0x6b: {  	[tilespmem:s22+$0x0] =	vst v19;
	v19 =	vld [tilespmem:s22+$0x10];
	_ =	sdelay $0x4  }
0x6c: {  	v19 =	vmul.f32 v19, v57;
	_ =	sdelay $0x1  }
0x6d: {  	[tilespmem:s22+$0x10] =	vst v19;
	v19 =	vld [tilespmem:s22+$0x20];
	_ =	sdelay $0x4  }
0x6e: {  	v19 =	vmul.f32 v19, v57;
	_ =	sdelay $0x1  }
0x6f: {  	[tilespmem:s22+$0x20] =	vst v19;
	v19 =	vld [tilespmem:s22+$0x30];
	_ =	sdelay $0x4  }
0x70: {  	v19 =	vmul.f32 v19, v57;
	_ =	sdelay $0x1  }
0x71: {  	[tilespmem:s22+$0x30] =	vst v19;
	v19 =	vld [tilespmem:s22+$0x40];
	_ =	sdelay $0x2  }
0x72: {  	v58 =	vperm.xlane v18, v10;
	_ =	sdelay $0x1  }
0x73: {  	v19 =	vmul.f32 v19, v58;
	_ =	sdelay $0x1  }
0x74: {  	[tilespmem:s22+$0x40] =	vst v19;
	v19 =	vld [tilespmem:s22+$0x50];
	_ =	sdelay $0x4  }
0x75: {  	v19 =	vmul.f32 v19, v58;
	_ =	sdelay $0x1  }
0x76: {  	[tilespmem:s22+$0x50] =	vst v19;
	v19 =	vld [tilespmem:s22+$0x60];
	_ =	sdelay $0x4  }
0x77: {  	v19 =	vmul.f32 v19, v58;
	_ =	sdelay $0x1  }
0x78: {  	[tilespmem:s22+$0x60] =	vst v19;
	v19 =	vld [tilespmem:s22+$0x70];
	_ =	sdelay $0x4  }
0x79: {  	v19 =	vmul.f32 v19, v58;
	_ =	sdelay $0x1  }
0x7a: {  	[tilespmem:s22+$0x70] =	vst v19;
	v19 =	vld [tilespmem:s22+$0x80];
	_ =	sdelay $0x2  }
0x7b: {  	v59 =	vperm.xlane v18, v11;
	_ =	sdelay $0x1  }
0x7c: {  	v19 =	vmul.f32 v19, v59;
	_ =	sdelay $0x1  }
0x7d: {  	[tilespmem:s22+$0x80] =	vst v19;
	v19 =	vld [tilespmem:s22+$0x90];
	_ =	sdelay $0x4  }
0x7e: {  	v19 =	vmul.f32 v19, v59;
	_ =	sdelay $0x1  }
0x7f: {  	[tilespmem:s22+$0x90] =	vst v19;
	v19 =	vld [tilespmem:s22+$0xA0];
	_ =	sdelay $0x4  }
0x80: {  	v19 =	vmul.f32 v19, v59;
	_ =	sdelay $0x1  }
0x81: {  	[tilespmem:s22+$0xA0] =	vst v19;
	v19 =	vld [tilespmem:s22+$0xB0];
	_ =	sdelay $0x4  }
0x82: {  	v19 =	vmul.f32 v19, v59;
	_ =	sdelay $0x1  }
0x83: {  	[tilespmem:s22+$0xB0] =	vst v19;
	v19 =	vld [tilespmem:s22+$0xC0];
	_ =	sdelay $0x2  }
0x84: {  	v60 =	vperm.xlane v18, v12;
	_ =	sdelay $0x1  }
0x85: {  	v19 =	vmul.f32 v19, v60;
	_ =	sdelay $0x1  }
0x86: {  	[tilespmem:s22+$0xC0] =	vst v19;
	v19 =	vld [tilespmem:s22+$0xD0];
	_ =	sdelay $0x4  }
0x87: {  	v19 =	vmul.f32 v19, v60;
	_ =	sdelay $0x1  }
0x88: {  	[tilespmem:s22+$0xD0] =	vst v19;
	v19 =	vld [tilespmem:s22+$0xE0];
	_ =	sdelay $0x4  }
0x89: {  	v19 =	vmul.f32 v19, v60;
	_ =	sdelay $0x1  }
0x8a: {  	[tilespmem:s22+$0xE0] =	vst v19;
	v19 =	vld [tilespmem:s22+$0xF0];
	_ =	sdelay $0x4  }
0x8b: {  	v19 =	vmul.f32 v19, v60;
	_ =	sdelay $0x1  }
0x8c: {  	[tilespmem:s22+$0xF0] =	vst v19;
	v19 =	vld [tilespmem:s22+$0x100];
	_ =	sdelay $0x2  }
0x8d: {  	v61 =	vperm.xlane v18, v13;
	_ =	sdelay $0x1  }
0x8e: {  	v19 =	vmul.f32 v19, v61;
	_ =	sdelay $0x1  }
0x8f: {  	[tilespmem:s22+$0x100] =	vst v19;
	v19 =	vld [tilespmem:s22+$0x110];
	_ =	sdelay $0x4  }
0x90: {  	v19 =	vmul.f32 v19, v61;
	_ =	sdelay $0x1  }
0x91: {  	[tilespmem:s22+$0x110] =	vst v19;
	v19 =	vld [tilespmem:s22+$0x120];
	_ =	sdelay $0x4  }
0x92: {  	v19 =	vmul.f32 v19, v61;
	_ =	sdelay $0x1  }
0x93: {  	[tilespmem:s22+$0x120] =	vst v19;
	v19 =	vld [tilespmem:s22+$0x130];
	_ =	sdelay $0x4  }
0x94: {  	v19 =	vmul.f32 v19, v61;
	_ =	sdelay $0x1  }
0x95: {  	[tilespmem:s22+$0x130] =	vst v19;
	v19 =	vld [tilespmem:s22+$0x140];
	_ =	sdelay $0x2  }
0x96: {  	v62 =	vperm.xlane v18, v14;
	_ =	sdelay $0x1  }
0x97: {  	v19 =	vmul.f32 v19, v62;
	_ =	sdelay $0x1  }
0x98: {  	[tilespmem:s22+$0x140] =	vst v19;
	v19 =	vld [tilespmem:s22+$0x150];
	_ =	sdelay $0x4  }
0x99: {  	v19 =	vmul.f32 v19, v62;
	_ =	sdelay $0x1  }
0x9a: {  	[tilespmem:s22+$0x150] =	vst v19;
	v19 =	vld [tilespmem:s22+$0x160];
	_ =	sdelay $0x4  }
0x9b: {  	v19 =	vmul.f32 v19, v62;
	_ =	sdelay $0x1  }
0x9c: {  	[tilespmem:s22+$0x160] =	vst v19;
	v19 =	vld [tilespmem:s22+$0x170];
	_ =	sdelay $0x4  }
0x9d: {  	v19 =	vmul.f32 v19, v62;
	_ =	sdelay $0x1  }
0x9e: {  	[tilespmem:s22+$0x170] =	vst v19;
	v19 =	vld [tilespmem:s22+$0x180];
	_ =	sdelay $0x2  }
0x9f: {  	v63 =	vperm.xlane v18, v15;
	_ =	sdelay $0x1  }
0xa0: {  	v19 =	vmul.f32 v19, v63;
	_ =	sdelay $0x1  }
0xa1: {  	[tilespmem:s22+$0x180] =	vst v19;
	v19 =	vld [tilespmem:s22+$0x190];
	_ =	sdelay $0x4  }
0xa2: {  	v19 =	vmul.f32 v19, v63;
	_ =	sdelay $0x1  }
0xa3: {  	[tilespmem:s22+$0x190] =	vst v19;
	v19 =	vld [tilespmem:s22+$0x1A0];
	_ =	sdelay $0x4  }
0xa4: {  	v19 =	vmul.f32 v19, v63;
	_ =	sdelay $0x1  }
0xa5: {  	[tilespmem:s22+$0x1A0] =	vst v19;
	v19 =	vld [tilespmem:s22+$0x1B0];
	_ =	sdelay $0x4  }
0xa6: {  	v19 =	vmul.f32 v19, v63;
	_ =	sdelay $0x1  }
0xa7: {  	[tilespmem:s22+$0x1B0] =	vst v19;
	v19 =	vld [tilespmem:s22+$0x1C0];
	_ =	sdelay $0x2  }
0xa8: {  	v18 =	vperm.xlane v18, v16;
	_ =	sdelay $0x1  }
0xa9: {  	v19 =	vmul.f32 v19, v18;
	_ =	sdelay $0x1  }
0xaa: {  	[tilespmem:s22+$0x1C0] =	vst v19;
	v19 =	vld [tilespmem:s22+$0x1D0];
	_ =	sdelay $0x4  }
0xab: {  	v19 =	vmul.f32 v19, v18;
	_ =	sdelay $0x1  }
0xac: {  	[tilespmem:s22+$0x1D0] =	vst v19;
	v19 =	vld [tilespmem:s22+$0x1E0];
	_ =	sdelay $0x4  }
0xad: {  	v19 =	vmul.f32 v19, v18;
	_ =	sdelay $0x1  }
0xae: {  	[tilespmem:s22+$0x1E0] =	vst v19;
	v19 =	vld [tilespmem:s22+$0x1F0];
	_ =	sdelay $0x1  }
0xaf: {  	p0 =	sne.s32 s23, $0x1C0  }
.Ltmp0:
0xb0: {  	_ = 	snop;
	(pc) =	sbr.rel @p0 .LBB2_3-.Ltmp0, $3  }
0xb1: {  	_ = 	snop  }
0xb2: {  	v18 =	vmul.f32 v19, v18;
	_ =	sdelay $0x1  }
0xb3: {  	s23 =	sadd.s32 $0x40, s23;
	[tilespmem:s22+$0x1F0] =	vst v18;
	s22 =	sadd.s32 $0x400, s22  }
0xb4: {  	p0 =	sne.s32 s18, $0x32  }
.Ltmp1:
0xb5: {  	s19 =	sadd.s32 s5, s19;
	(pc) =	sbr.rel @p0 .LBB2_2-.Ltmp1, $4  }
0xb6: {  	s19 =	sshll.u32 s19, $0xA  }
0xb7: {  	s20 =	sadd.s32 $0x5, s20;
	s19 =	sadd.s32 s2, s19  }
0xb8: {  	[hbm4b:s19+s3] =	stream.linear.scatter [tilespmem:s21], [sflag:s20], $0x2000, $0x38;
	[tilespmem:$0x9900] =	vst v63  }
0xb9: {  	s17 =	sadd.s32 $0x80, s17;
	s16 =	sadd.s32 $0x1, s16;
	s19 =	smov.u32 s18  }
0xba: {  	_ =	swait.ge [sflag:s11], $0x2000  }
0xbb: {  	[sflag:s11] =	ssyncset.done $0x0  }
0xbc: {  	[sflag:s11] =	ssyncadd.s32 $0xFFFFE000  }
0xbd: {  	_ =	swait.ge [sflag:s12], $0x2000  }
0xbe: {  	[sflag:s12] =	ssyncset.done $0x0  }
0xbf: {  	s15 =	sadd.s32 $0x1, s15;
	[sflag:s12] =	ssyncadd.s32 $0xFFFFE000  }
0xc0: {  	p0 =	sne.s32 s15, s7;
	_ =	swait.ge [sflag:s13], $0x2000  }
.Ltmp2:
0xc1: {  	[sflag:s13] =	ssyncset.done $0x0;
	(pc) =	sbr.rel @p0 .LBB2_1-.Ltmp2, $4  }
0xc2: {  	[sflag:s13] =	ssyncadd.s32 $0xFFFFE000  }
0xc3: {  	_ =	swait.ge [sflag:s14], $0x2000  }
0xc4: {  	[sflag:s14] =	ssyncset.done $0x0  }
0xc5: {  	[sflag:s14] =	ssyncadd.s32 $0xFFFFE000  }
0xc6: {  	_ =	sfence.sel $0x180000  }
0xc7: {  	[bflag:$0x0] =	sbarrier.arrive $0xFFFF  }
0xc8: {  	p0 =	sne.s32 s0, $0x0;
	_ =	strace $0x90000047  }
0xc9: {  	s0 =	sadd.s32 @!p0 $0x100000, s1;
	[bflag:$0x2] =	sbarrier.arrive $0xFFFF  }
0xca: {  	[sflag:s0] =	ssyncadd.tile.s32 @!p0 $0x1;
	_ =	shalt  }
.Lfunc_end2:
_tile_overlayer_lowered:
.L_overlay_start_2:
0xcb: {  	(tag) =	ssettag $0x2  }
0xcc: {  	s0 =	rddreg [dreg:$0x0];
	s2 =	stileid.u32  }
0xcd: {  	s1 =	rddreg [dreg:$0x1];
	p0 =	sne.s32 s2, $0x0  }
0xce: {  	s3 =	rddreg [dreg:$0x2];
	[bflag:$0x3] =	sbarrier.arrive $0xFFFF;
	s2 =	simm.s32 @!p0 $0x1C09  }
0xcf: {  	[timem:s3], [sflag:s2] =	dma.local @!p0 [hbm:s0], s1  }
0xd0: {  	s0 =	simm.s32 @!p0 $0x9  }
0xd1: {  	_ =	swait.ge @!p0 [sflag:s0], s1  }
0xd2: {  	s1 =	ssub.s32 @!p0 $0x0, s1;
	[sflag:s0] =	ssyncset.done @!p0 $0x0  }
0xd3: {  	[sflag:s0] =	ssyncadd.s32 @!p0 s1  }
0xd4: {  	[bflag:$0x3] =	sbarrier.arrive $0xFFFF  }
0xd5: {  	_ =	shalt  }

// kernel: sparse-core-data-format-call.cloned.1.call-start
scs
called_computation_lowered:
.L_overlay_start_0:
0x0: {  	s2 =	sld [smem:$0x3FD9]  }
0x1: {  	s3 =	sld [smem:$0x3FFE];
	_ =	sdelay $0x1  }
0x2: {  	s1 =	srdreg.scid  }
0x3: {  	s0 =	sand.u32 $0x1, s1  }
0x4: {  	s18 =	sshll.u32 s0, $0xA;
	s2 =	sadd.s32 s3, s2  }
0x5: {  	s2 =	sadd.s32 s2, s18  }
0x6: {  	[smem:$0x3FC6] =	sst s2  }
0x7: {  	_ = 	snop  }
0x8: {  	s2 =	sld [smem:$0x3FD0];
	(tm) =	ssettm $0x1  }
0x9: {  	s19 =	sld [smem:$0x3FFB];
	_ =	sdelay $0x3  }
0xa: {  	_ =	strace s19  }
0xb: {  	s3 =	sld [smem:$0x3FFC];
	_ =	sdelay $0x3  }
0xc: {  	_ =	strace s3  }
0xd: {  	s3 =	sld [smem:$0x3FFD];
	_ =	sdelay $0x3  }
0xe: {  	_ =	strace s3  }
0xf: {  	_ =	strace $0x8FFFFFFF  }
0x10: {  	s20 =	sld [smem:$0x3FDB];
	_ =	sdelay $0x1  }
0x11: {  	s4 =	simm.s32 $_scs_section_size  }
0x12: {  	s5 =	simm.s32 $_size__tile_overlayer_lowered;
	s6 =	simm.s32 $_tile_overlayer_lowered  }
0x13: {  	s23 =	simm.s32 $0x1BFF;
	s22 =	sshll.u32 s6, $0x1;
	s3 =	sadd.s32 s4, s20  }
0x14: {  	s7 =	simm.s32 $0x0;
	s21 =	sshll.u32 s5, $0x1;
	s5 =	sadd.s32 s22, s3  }
0x15: {  	[timem:s7], [sflag:s23] =	dma.local [hbm:s5], s21  }
0x16: {  	_ =	swait.ge [sflag:s23], s21  }
0x17: {  	s4 =	ssub.s32 $0x0, s21;
	[sflag:s23] =	ssyncset.done $0x0  }
0x18: {  	[sflag:s23] =	ssyncadd.s32 s4;
	_ =	sdelay $0x1  }
0x19: {  	s24 =	simm.s32 $0x1B8B  }
0x1a: {  	_ =	swait.ge [sflag:s24], $0x1  }
0x1b: {  	[sflag:s24] =	ssyncset.done $0x0  }
0x1c: {  	s26 =	simm.s32 $0x1B8E;
	s25 =	sld [smem:$0x3FFE];
	[sflag:s24] =	ssyncadd.s32 $0xFFFFFFFF  }
0x1d: {  	s27 =	simm.s32 $execute0_lowered;
	[smem:$0x3FD2] =	sst s26  }
0x1e: {  	s5 =	sshll.u32 s27, $0x1;
	_ =	strace $0x80000049;
	[dreg:$0x1] =	wrdreg $0xFFFFFFFF  }
0x1f: {  	s28 =	simm.s32 $_size_execute0_lowered;
	s3 =	sadd.s32 s3, s5;
	[dreg:$0x0] =	wrdreg $0x0  }
0x20: {  	s5 =	sshll.u32 s28, $0x1;
	[dreg:$0x2] =	wrdreg s3  }
0x21: {  	[dreg:$0x3] =	wrdreg s5  }
0x22: {  	[dreg:$0x4] =	wrdreg $0xC0  }
0x23: {  	_ =	task [dreg:s7], $0x5FFFF  }
0x24: {  	[dreg:$0x1] =	wrdreg $0xFFFFFFFF  }
0x25: {  	[dreg:$0x0] =	wrdreg $0x60  }
0x26: {  	[dreg:$0x2] =	wrdreg s25  }
0x27: {  	[dreg:$0x3] =	wrdreg s2  }
0x28: {  	[dreg:$0x4] =	wrdreg $0x9  }
0x29: {  	_ =	task.clear_ibuf [dreg:s7], $0x5FFFF;
	_ =	strace $0x90000049  }
0x2a: {  	s29 =	simm.s32 $0x9;
	_ =	strace $0x8000004B  }
0x2b: {  	_ =	swait.ge [sflag:s29], $0x1  }
0x2c: {  	[sflag:s29] =	ssyncadd.s32 $0xFFFFFFFF  }
0x2d: {  	_ =	strace $0x9000004B  }
0x2e: {  	_ =	sfence  }
0x2f: {  	s30 =	sld [smem:$0x0];
	_ =	sdelay $0x2  }
0x30: {  	s31 =	sshll.u32 s1, $0xD;
	s1 =	sshrl.u32 s1, $0x2  }
0x31: {  	s3 =	sand.u32 $0x4000, s31;
	s1 =	sadd.s32 s1, s30  }
0x32: {  	s0 =	sor.u32 s3, s0;
	s1 =	sshll.u32 s1, $0x11  }
0x33: {  	s0 =	sor.u32 s1, s0  }
0x34: {  	s0 =	sadd.s32 $0x8F2B, s0  }
0x35: {  	[sflag:s0] =	ssyncadd.remote.s32 $0x1  }
0x36: {  	_ =	sfence.sel $0xFFFF  }
0x37: {  	[dreg:$0x0] =	wrdreg $0xFFFFFFFF;
	(pc) =	sbr.abs _section_cstart, $3  }
0x38: {  	[dreg:$0x1] =	wrdreg $0xFFFFFFFF  }
0x39: {  	_ =	task.clear_ibuf [dreg:s7], $0x2FFFF;
	_ =	strace $0x9FFFFFFF  }
0x3a: {  	(tm) =	ssettm $0x7FFFFFFF  }
0x3b: {  	_ =	shalt  }
tec
execute0_lowered:
.L_overlay_start_1:
0x0: {  	(tag) =	ssettag $0x1  }
0x1: {  	s0 =	stileid.u32;
	s6 =	rddreg [dreg:$0x0]  }
0x2: {  	s2 =	rddreg [dreg:$0x1];
	s5 =	srdreg.scid  }
0x3: {  	s31 =	simm.s32 $0x2;
	s13 =	simm.s32 $0x0;
	s1 =	sshll.u32 s0, $0x7  }
0x4: {  	s14 =	simm.s32 $0x0;
	s12 =	simm.s32 $0x0;
	s3 =	sand.u32 $0x380, s1  }
0x5: {  	s5 =	sshll.u32 s5, $0x4;
	s6 =	sadd.s32 $0xA00, s6;
	s4 =	ssub.s32 $0x400, s3  }
0x6: {  	s1 =	rddreg [dreg:$0x2];
	_ =	strace $0x8000004A;
	s7 =	sand.u32 $0x380, s4  }
0x7: {  	s5 =	sand.u32 $0x10, s5;
	p0 =	sne.s32 s7, $0x0;
	s7 =	simm.s32 $0x1  }
.Ltmp0:
0x8: {  	s8 =	sshrl.u32 s4, $0xA;
	s7 =	simm.s32 @!p0 $0x0;
	(pc) =	sbr.rel .LBB1_1-.Ltmp0, $4  }
0x9: {  	s9 =	sor.u32 s0, s5;
	s4 =	simm.s32 $0x1;
	s30 =	sadd.s32 s7, s8  }
0xa: {  	s11 =	smov.u32 s3;
	[sflag:s4] =	ssyncpa.u1 $0x0;
	s5 =	smul.u32 $0x32, s30  }
0xb: {  	[sflag:s31] =	ssyncpa.u1 $0x0;
	p0 =	por $0x0, $0x0;
	s7 =	sshrl.u32 s9, $0x3  }
0xc: {  	s9 =	simm.s32 $0x2000;
	s10 =	smov.u32 s7;
	s8 =	sor.u32 $0x1, s5  }
.LBB1_4:
0xd: {  	s17 =	sand.u32 $0x1F80, s14;
	s13 =	sshll.u32 s13, $0xD  }
0xe: {  	[tilespmem:s16+$0x810 ss:$0x81] =	vst.msk $0xffff, v2;
	s18 =	sshrl.u32 s14, $0x3;
	s31 =	sand.u32 $0x7, s14;
	s17 =	sadd.s32 s2, s17  }
0xf: {  	[tilespmem:s16+$0x1020 ss:$0x81] =	vst.msk $0xffff, v0;
	s18 =	sand.u32 $0xF, s18;
	s14 =	sshll.u32 s31, $0x12;
	s13 =	sadd.s32 s13, s17  }
0x10: {  	[tilespmem:s16+$0x0 ss:$0x81] =	vst.msk $0xffff, v1;
	s14 =	sor.u32 $0x400, s14;
	s13 =	sadd.s32 s18, s13  }
0x11: {  	[hbm4b:s13+s14] =	stream.strided.scatter [tilespmem:s15], [sflag:$0x2], $0x2000, s9, s14, $0x20;
	[tilespmem:$0x8080] =	vst v63  }
.LBB1_5:
0x12: {  	s15 =	sadd.s32 $0x4, s10  }
0x13: {  	s13 =	sadd.s32 $0x400, s11;
	s17 =	smov.u32 s11;
	p2 =	sgt.s32 s15, $0xC7  }
0x14: {  	s17 =	smov.u32 @p2 s13  }
0x15: {  	s15 =	smov.u32 @p2 s7;
	p2 =	sgt.s32 s17, $0x3FF  }
0x16: {  	s17 =	smov.u32 @p2 s3;
	p2 =	sne.s32 s12, s8  }
.Ltmp1:
0x17: {  	p1 =	slt.u32 s12, $0x2;
	(pc) =	sbr.rel @!p2 .LBB1_6-.Ltmp1, $4  }
0x18: {  	s16 =	simm.s32 @!p1 $0x2  }
0x19: {  	s14 =	smov.u32 s11;
	p0 =	por !p0, !p0;
	_ =	swait.ge @!p1 [sflag:s16], $0x2000  }
0x1a: {  	s13 =	smov.u32 s10;
	[sflag:s16] =	ssyncset.done @!p1 $0x0;
	s10 =	smov.u32 s15  }
0x1b: {  	s12 =	sadd.s32 $0x1, s12;
	[sflag:s16] =	ssyncadd.s32 @!p1 $0xFFFFE000;
	s11 =	smov.u32 s17  }
.LBB1_1:
0x1c: {  	p1 =	sge.u32 s12, s5  }
0x1d: {  	s15 =	sand.u32 @!p1 $0x1FFFFFF, s10  }
0x1e: {  	s16 =	smulhi.u32 @!p1 $0x147AE15, s15;
	_ =	sdelay $0x1  }
0x1f: {  	s16 =	smul.u32 @!p1 $0xC8, s16  }
0x20: {  	s17 =	sxor.u32 @!p1 $0xFFFFFFFF, s12;
	s18 =	smul.u32 @!p1 $0xC80, s11  }
0x21: {  	s31 =	sadd.s32 $0xFFFFFFFF, s12;
	s17 =	sshll.u32 @!p1 s17, $0xD;
	s15 =	ssub.s32 @!p1 s15, s16  }
0x22: {  	s16 =	sand.u32 @!p1 $0x2000, s17;
	s17 =	sadd.s32 @!p1 s6, s18;
	s15 =	sshll.u32 @!p1 s15, $0x4  }
0x23: {  	s18 =	simm.s32 @!p1 $0x6400;
	s15 =	sadd.s32 @!p1 s15, s17;
	s17 =	simm.s32 @!p1 $0x40  }
0x24: {  	[tilespmem:s16], [sflag:$0x1] =	stream.strided.gather @!p1 [hbm4b:s15+s17], $0x2000, s18, s17, $0x38;
	[tilespmem:$0x8080] =	vst v63  }
0x25: {  	p1 =	sge.u32 s31, s5  }
.Ltmp2:
0x26: {  	_ = 	snop;
	(pc) =	sbr.rel @p1 .LBB1_5-.Ltmp2, $1  }
0x27: {  	_ =	sdelay $0x3  }
0x28: {  	s15 =	simm.s32 $0x1  }
0x29: {  	_ =	swait.ge [sflag:s4], $0x2000;
	s15 =	simm.s32 @!p0 $0x0  }
0x2a: {  	[sflag:s4] =	ssyncset.done $0x0;
	s16 =	sshll.u32 s15, $0xD  }
0x2b: {  	[sflag:s4] =	ssyncadd.s32 $0xFFFFE000;
	s19 =	sor.u32 $0x20, s16  }
0x2c: {  	s15 =	smul.u32 $0x8100, s15;
	v3 =	vld [tilespmem:s19+$0x10]  }
0x2d: {  	s30 =	sand.u32 $0x1, s12;
	v2 =	vld [tilespmem:s19+$0xFFFFFFF0]  }
0x2e: {  	s16 =	smul.u32 $0x8100, s30;
	s15 =	sshrl.u32 s15, $0x2;
	v0 =	vld [tilespmem:s19+$0x0]  }
0x2f: {  	v1 =	vld [tilespmem:s19+$0xFFFFFFE0];
	s17 =	sor.u32 $0x4000, s15  }
0x30: {  	s31 =	sshrl.u32 s16, $0x2;
	s16 =	sadd.s32 $0x0, s17  }
0x31: {  	s18 =	simm.s32 $0x4;
	s19 =	sadd.s32 $0x40, s19;
	s15 =	sor.u32 $0x4000, s31;
	[tilespmem:s16+$0x1830 ss:$0x81] =	vst.msk $0xffff, v3  }
.LBB1_3:
0x32: {  	v3 =	vld [tilespmem:s19+$0x10];
	p1 =	sne.s32 s18, $0x1FC;
	[tilespmem:s16+$0x810 ss:$0x81] =	vst.msk $0xffff, v2;
	s20 =	smov.u32 s18;
	s18 =	sadd.s32 $0x4, s18  }
.Ltmp3:
0x33: {  	v2 =	vld [tilespmem:s19+$0xFFFFFFF0];
	[tilespmem:s16+$0x1020 ss:$0x81] =	vst.msk $0xffff, v0;
	(pc) =	sbr.rel @p1 .LBB1_3-.Ltmp3, $4  }
0x34: {  	v0 =	vld [tilespmem:s19+$0x0];
	[tilespmem:s16+$0x0 ss:$0x81] =	vst.msk $0xffff, v1  }
0x35: {  	s16 =	sshra.s32 s20, $0x2;
	v1 =	vld [tilespmem:s19+$0xFFFFFFE0]  }
0x36: {  	s16 =	sadd.s32 s16, s17  }
0x37: {  	s19 =	sadd.s32 $0x40, s19;
	[tilespmem:s16+$0x1830 ss:$0x81] =	vst.msk $0xffff, v3  }
.Ltmp4:
0x38: {  	_ = 	snop;
	(pc) =	sbr.rel .LBB1_4-.Ltmp4, $1  }
0x39: {  	_ =	sdelay $0x3  }
.LBB1_6:
0x3a: {  	_ =	sfence.sel $0x180000  }
0x3b: {  	s2 =	simm.s32 $0x1;
	[bflag:$0x0] =	sbarrier.arrive $0xFFFF  }
0x3c: {  	s31 =	simm.s32 $0x2;
	[sflag:s2] =	ssyncpa.u1 $0x1  }
0x3d: {  	[sflag:s31] =	ssyncpa.u1 $0x1  }
0x3e: {  	p0 =	sne.s32 s0, $0x0;
	_ =	strace $0x9000004A  }
0x3f: {  	s0 =	sadd.s32 @!p0 $0x100000, s1;
	[bflag:$0x2] =	sbarrier.arrive $0xFFFF  }
0x40: {  	[sflag:s0] =	ssyncadd.tile.s32 @!p0 $0x1;
	_ =	shalt  }
.Lfunc_end1:
_tile_overlayer_lowered:
.L_overlay_start_2:
0x41: {  	(tag) =	ssettag $0x2  }
0x42: {  	s0 =	rddreg [dreg:$0x0];
	s2 =	stileid.u32  }
0x43: {  	s1 =	rddreg [dreg:$0x1];
	p0 =	sne.s32 s2, $0x0  }
0x44: {  	s3 =	rddreg [dreg:$0x2];
	[bflag:$0x3] =	sbarrier.arrive $0xFFFF;
	s2 =	simm.s32 @!p0 $0x1C01  }
0x45: {  	[timem:s3], [sflag:s2] =	dma.local @!p0 [hbm:s0], s1  }
0x46: {  	s0 =	simm.s32 @!p0 $0x1  }
0x47: {  	_ =	swait.ge @!p0 [sflag:s0], s1  }
0x48: {  	s1 =	ssub.s32 @!p0 $0x0, s1;
	[sflag:s0] =	ssyncset.done @!p0 $0x0  }
0x49: {  	[sflag:s0] =	ssyncadd.s32 @!p0 s1  }
0x4a: {  	[bflag:$0x3] =	sbarrier.arrive $0xFFFF  }
0x4b: {  	_ =	shalt  }

</sc_bundles>
